<compile_context>
chip_gen: v7x
topology: tpu7x:2x2x1
jax: 0.10.2.dev20260603
libtpu: 0.0.44.dev20260713+nightly
codegen_flags: <defaults>
</compile_context>

<pallas_src>
import functools
import math

import jax
import jax.numpy as jnp
from jax import lax
from jax.experimental import pallas as pl
from jax.experimental.pallas import tpu as pltpu
from jax.experimental.pallas import tpu_sc as plsc

_N = 1048576
_K = 64
_NC = 2
_NS = 16
_NW = _NC * _NS
_PER_W = _N // _NW
_SIZES = (8192, 8192, 8192, 8192)
_PREFETCH = 2
_EDGES = tuple(sum(_SIZES[:i]) for i in range(len(_SIZES) + 1))
_L = 16

_LN2 = math.log(2.0)

_mesh = plsc.VectorSubcoreMesh(core_axis_name="c", subcore_axis_name="s")


@functools.partial(
    pl.kernel,
    mesh=_mesh,
    compiler_params=pltpu.CompilerParams(needs_layout_passes=False),
    out_type=jax.ShapeDtypeStruct((_N,), jnp.float32),
    scratch_types=[
        pltpu.VMEM((_K,), jnp.float32),
        pltpu.VMEM((_K,), jnp.float32),
        pltpu.VMEM((_PER_W,), jnp.int32),
        pltpu.VMEM((_PER_W,), jnp.float32),
        pltpu.SemaphoreType.DMA,
        [pltpu.SemaphoreType.DMA] * len(_SIZES),
        [pltpu.SemaphoreType.DMA] * len(_SIZES),
    ],
)
def _gather_kernel(mp_hbm, z_hbm, out_hbm, mp_v, table_v, zb, ob,
                   sem_t, sem_i, sem_o):
    wid = lax.axis_index("s") * _NC + lax.axis_index("c")
    base = wid * _PER_W

    def _start_in(c):
        return pltpu.async_copy(
            z_hbm.at[pl.ds(base + _EDGES[c], _SIZES[c])],
            zb.at[pl.ds(_EDGES[c], _SIZES[c])],
            sem_i[c],
        )

    t_copy = pltpu.async_copy(mp_hbm, mp_v, sem_t)
    copies_in = [_start_in(c) for c in range(_PREFETCH)]
    t_copy.wait()

    for k in range(_K // _L):
        y = mp_v[pl.ds(k * _L, _L)]
        bits = lax.bitcast_convert_type(y, jnp.int32)
        w = bits.astype(jnp.float32) * (_LN2 / (1 << 23)) - (127.0 * _LN2)
        for _ in range(3):
            w = w + y * jnp.exp(-w) - 1.0
        table_v[pl.ds(k * _L, _L)] = w

    copies_out = []
    for c in range(len(_SIZES)):
        if c + _PREFETCH < len(_SIZES):
            copies_in.append(_start_in(c + _PREFETCH))
        copies_in[c].wait()

        @plsc.parallel_loop(_EDGES[c], _EDGES[c + 1], _L, unroll=32)
        def _body(off):
            idx = zb[pl.ds(off, _L)]
            ob[pl.ds(off, _L)] = plsc.load_gather(table_v, [idx])

        copies_out.append(
            pltpu.async_copy(
                ob.at[pl.ds(_EDGES[c], _SIZES[c])],
                out_hbm.at[pl.ds(base + _EDGES[c], _SIZES[c])],
                sem_o[c],
            )
        )
    for cp in copies_out:
        cp.wait()


def kernel(z, x, mixture_probs):
    return _gather_kernel(mixture_probs, z.astype(jnp.int32))

# --- scband reference (transcript-rebuilt; emitter-appended) ---
"""Pipeline reference for scband-inference-network-3453153706189 (READ-ONLY COPY).

The authoritative reference and input builder live on the scoring server;
editing this copy changes nothing except your own understanding.
"""

import jax, jax.numpy as jnp
import numpy as np

NUM_MIXTURES = 64
N = 1048576


def setup_inputs(seed: int = 0) -> dict:
    key = jax.random.key(seed)
    k1, k2 = jax.random.split(key)
    z = jax.random.randint(k1, (N,), 0, NUM_MIXTURES, dtype=jnp.int64 if jax.config.jax_enable_x64 else jnp.int32)
    x = jax.random.normal(k2, (N,), dtype=jnp.float32)
    mixture_probs = jnp.full((NUM_MIXTURES,), 1.0 / NUM_MIXTURES, dtype=jnp.float32)
    return {"z": z, "x": x, "mixture_probs": mixture_probs}


def reference(z, x, mixture_probs):
    # z_logpdf: gather log(mixture_probs) at sample indices z.
    # Original torch: torch.gather(log_probs.expand(N, K), 1, z.unsqueeze(-1)).view(-1)
    # which is equivalent to log_probs[z] since rows of the expand are identical.
    log_probs = jnp.log(mixture_probs)
    return jnp.take(log_probs, z, axis=0)

if __name__ == "__main__":
    import jax
    _d = setup_inputs()
    print(jax.jit(kernel)(*tuple(_d.values())))

</pallas_src>

<mosaic_0001>
#map = affine_map<(d0, d1) -> (0)>
module attributes {stable_mosaic.version = 14 : i64} {
  func.func @_gather_kernel(%arg0: i32, %arg1: i32, %arg2: memref<64xf32, #tpu.memory_space<hbm>>, %arg3: memref<1048576xi32, #tpu.memory_space<hbm>>, %arg4: memref<1048576xf32, #tpu.memory_space<hbm>>, %arg5: memref<64xf32, #tpu.memory_space<vmem>>, %arg6: memref<64xf32, #tpu.memory_space<vmem>>, %arg7: memref<32768xi32, #tpu.memory_space<vmem>>, %arg8: memref<32768xf32, #tpu.memory_space<vmem>>, %arg9: memref<!tpu.dma_semaphore, #tpu.memory_space<semaphore_mem>>, %arg10: memref<!tpu.dma_semaphore, #tpu.memory_space<semaphore_mem>>, %arg11: memref<!tpu.dma_semaphore, #tpu.memory_space<semaphore_mem>>, %arg12: memref<!tpu.dma_semaphore, #tpu.memory_space<semaphore_mem>>, %arg13: memref<!tpu.dma_semaphore, #tpu.memory_space<semaphore_mem>>, %arg14: memref<!tpu.dma_semaphore, #tpu.memory_space<semaphore_mem>>, %arg15: memref<!tpu.dma_semaphore, #tpu.memory_space<semaphore_mem>>, %arg16: memref<!tpu.dma_semaphore, #tpu.memory_space<semaphore_mem>>, %arg17: memref<!tpu.dma_semaphore, #tpu.memory_space<semaphore_mem>>) attributes {dimension_semantics = [#tpu.dimension_semantics<core_parallel>, #tpu.dimension_semantics<subcore_parallel>], iteration_bounds = array<i64: 2, 16>, scalar_prefetch = 0 : i64, scratch_operands = 13 : i64, tpu.core_type = #tpu.core_type<sc_vector_subcore>, window_params = [{transform_indices = #map}, {transform_indices = #map}, {transform_indices = #map}]} {
    %mul3A = arith.constant 2 : i32
    %mul3A_0 = arith.muli %arg1, %mul3A : i32
    %add3A = arith.addi %mul3A_0, %arg0 : i32
    %mul3A_1 = arith.constant 32768 : i32
    %mul3A_2 = arith.muli %add3A, %mul3A_1 : i32
    tpu.enqueue_dma source(%arg2 : memref<64xf32, #tpu.memory_space<hbm>>) target(%arg5 : memref<64xf32, #tpu.memory_space<vmem>>) target_semaphore(%arg9 : memref<!tpu.dma_semaphore, #tpu.memory_space<semaphore_mem>>)
    %add3A_3 = arith.constant 0 : i32
    %add3A_4 = arith.addi %mul3A_2, %add3A_3 : i32
    %dma_start3A = arith.constant 0 : i32
    %dma_start3A_5 = tpu.memref_slice %arg7[%dma_start3A] : memref<32768xi32, #tpu.memory_space<vmem>> -> memref<8192xi32, #tpu.memory_space<vmem>>
    %dma_start3A_6 = tpu.memref_slice %arg3[%add3A_4] : memref<1048576xi32, #tpu.memory_space<hbm>> -> memref<8192xi32, #tpu.memory_space<hbm>>
    %dma_start3A_7 = arith.constant 0 : i32
    %dma_start3A_8 = tpu.memref_slice %arg7[%dma_start3A_7] : memref<32768xi32, #tpu.memory_space<vmem>> -> memref<8192xi32, #tpu.memory_space<vmem>>
    %dma_start3A_9 = tpu.memref_slice %arg3[%add3A_4] : memref<1048576xi32, #tpu.memory_space<hbm>> -> memref<8192xi32, #tpu.memory_space<hbm>>
    tpu.enqueue_dma source(%dma_start3A_9 : memref<8192xi32, #tpu.memory_space<hbm>>) target(%dma_start3A_8 : memref<8192xi32, #tpu.memory_space<vmem>>) target_semaphore(%arg10 : memref<!tpu.dma_semaphore, #tpu.memory_space<semaphore_mem>>)
    %add3A_10 = arith.constant 8192 : i32
    %add3A_11 = arith.addi %mul3A_2, %add3A_10 : i32
    %dma_start3A_12 = arith.constant 8192 : i32
    %dma_start3A_13 = tpu.memref_slice %arg7[%dma_start3A_12] : memref<32768xi32, #tpu.memory_space<vmem>> -> memref<8192xi32, #tpu.memory_space<vmem>>
    %dma_start3A_14 = tpu.memref_slice %arg3[%add3A_11] : memref<1048576xi32, #tpu.memory_space<hbm>> -> memref<8192xi32, #tpu.memory_space<hbm>>
    %dma_start3A_15 = arith.constant 8192 : i32
    %dma_start3A_16 = tpu.memref_slice %arg7[%dma_start3A_15] : memref<32768xi32, #tpu.memory_space<vmem>> -> memref<8192xi32, #tpu.memory_space<vmem>>
    %dma_start3A_17 = tpu.memref_slice %arg3[%add3A_11] : memref<1048576xi32, #tpu.memory_space<hbm>> -> memref<8192xi32, #tpu.memory_space<hbm>>
    tpu.enqueue_dma source(%dma_start3A_17 : memref<8192xi32, #tpu.memory_space<hbm>>) target(%dma_start3A_16 : memref<8192xi32, #tpu.memory_space<vmem>>) target_semaphore(%arg11 : memref<!tpu.dma_semaphore, #tpu.memory_space<semaphore_mem>>)
    tpu.wait_dma2 semaphore(%arg9 : memref<!tpu.dma_semaphore, #tpu.memory_space<semaphore_mem>>) src(%arg2 : memref<64xf32, #tpu.memory_space<hbm>>) dst(%arg5 : memref<64xf32, #tpu.memory_space<vmem>>)
    %get3A = arith.constant 0 : index
    %get3A_18 = tpu.vector_load %arg5[%get3A] {strides = array<i32>} : memref<64xf32, #tpu.memory_space<vmem>>, vector<16xf32>,
    %bitcast_convert_type3A = tpu.bitcast %get3A_18 : vector<16xf32> -> vector<16xi32>
    %convert_element_type3A = arith.sitofp %bitcast_convert_type3A : vector<16xi32> to vector<16xf32>
    %mul3A_19 = arith.constant 8.26295832E-8 : f32
    %mul3A_20 = vector.broadcast %mul3A_19 : f32 to vector<16xf32>
    %mul3A_21 = arith.mulf %convert_element_type3A, %mul3A_20 : vector<16xf32>
    %sub3A = arith.constant 88.0296936 : f32
    %sub3A_22 = vector.broadcast %sub3A : f32 to vector<16xf32>
    %sub3A_23 = arith.subf %mul3A_21, %sub3A_22 : vector<16xf32>
    %neg3A = arith.constant 0.000000e+00 : f32
    %neg3A_24 = vector.broadcast %neg3A : f32 to vector<16xf32>
    %neg3A_25 = arith.subf %neg3A_24, %sub3A_23 : vector<16xf32>
    %exp3A = math.exp %neg3A_25 : vector<16xf32>
    %mul3A_26 = arith.mulf %get3A_18, %exp3A : vector<16xf32>
    %add3A_27 = arith.addf %sub3A_23, %mul3A_26 : vector<16xf32>
    %sub3A_28 = arith.constant 1.000000e+00 : f32
    %sub3A_29 = vector.broadcast %sub3A_28 : f32 to vector<16xf32>
    %sub3A_30 = arith.subf %add3A_27, %sub3A_29 : vector<16xf32>
    %neg3A_31 = arith.constant 0.000000e+00 : f32
    %neg3A_32 = vector.broadcast %neg3A_31 : f32 to vector<16xf32>
    %neg3A_33 = arith.subf %neg3A_32, %sub3A_30 : vector<16xf32>
    %exp3A_34 = math.exp %neg3A_33 : vector<16xf32>
    %mul3A_35 = arith.mulf %get3A_18, %exp3A_34 : vector<16xf32>
    %add3A_36 = arith.addf %sub3A_30, %mul3A_35 : vector<16xf32>
    %sub3A_37 = arith.constant 1.000000e+00 : f32
    %sub3A_38 = vector.broadcast %sub3A_37 : f32 to vector<16xf32>
    %sub3A_39 = arith.subf %add3A_36, %sub3A_38 : vector<16xf32>
    %neg3A_40 = arith.constant 0.000000e+00 : f32
    %neg3A_41 = vector.broadcast %neg3A_40 : f32 to vector<16xf32>
    %neg3A_42 = arith.subf %neg3A_41, %sub3A_39 : vector<16xf32>
    %exp3A_43 = math.exp %neg3A_42 : vector<16xf32>
    %mul3A_44 = arith.mulf %get3A_18, %exp3A_43 : vector<16xf32>
    %add3A_45 = arith.addf %sub3A_39, %mul3A_44 : vector<16xf32>
    %sub3A_46 = arith.constant 1.000000e+00 : f32
    %sub3A_47 = vector.broadcast %sub3A_46 : f32 to vector<16xf32>
    %sub3A_48 = arith.subf %add3A_45, %sub3A_47 : vector<16xf32>
    %swap3A = arith.constant 0 : index
    %swap3A_49 = tpu.vector_load %arg6[%swap3A] {strides = array<i32>} : memref<64xf32, #tpu.memory_space<vmem>>, vector<16xf32>,
    tpu.vector_store %arg6[%swap3A], %sub3A_48 {strides = array<i32>} : memref<64xf32, #tpu.memory_space<vmem>>, vector<16xf32>,
    %get3A_50 = arith.constant 16 : index
    %get3A_51 = tpu.vector_load %arg5[%get3A_50] {strides = array<i32>} : memref<64xf32, #tpu.memory_space<vmem>>, vector<16xf32>,
    %bitcast_convert_type3A_52 = tpu.bitcast %get3A_51 : vector<16xf32> -> vector<16xi32>
    %convert_element_type3A_53 = arith.sitofp %bitcast_convert_type3A_52 : vector<16xi32> to vector<16xf32>
    %mul3A_54 = arith.constant 8.26295832E-8 : f32
    %mul3A_55 = vector.broadcast %mul3A_54 : f32 to vector<16xf32>
    %mul3A_56 = arith.mulf %convert_element_type3A_53, %mul3A_55 : vector<16xf32>
    %sub3A_57 = arith.constant 88.0296936 : f32
    %sub3A_58 = vector.broadcast %sub3A_57 : f32 to vector<16xf32>
    %sub3A_59 = arith.subf %mul3A_56, %sub3A_58 : vector<16xf32>
    %neg3A_60 = arith.constant 0.000000e+00 : f32
    %neg3A_61 = vector.broadcast %neg3A_60 : f32 to vector<16xf32>
    %neg3A_62 = arith.subf %neg3A_61, %sub3A_59 : vector<16xf32>
    %exp3A_63 = math.exp %neg3A_62 : vector<16xf32>
    %mul3A_64 = arith.mulf %get3A_51, %exp3A_63 : vector<16xf32>
    %add3A_65 = arith.addf %sub3A_59, %mul3A_64 : vector<16xf32>
    %sub3A_66 = arith.constant 1.000000e+00 : f32
    %sub3A_67 = vector.broadcast %sub3A_66 : f32 to vector<16xf32>
    %sub3A_68 = arith.subf %add3A_65, %sub3A_67 : vector<16xf32>
    %neg3A_69 = arith.constant 0.000000e+00 : f32
    %neg3A_70 = vector.broadcast %neg3A_69 : f32 to vector<16xf32>
    %neg3A_71 = arith.subf %neg3A_70, %sub3A_68 : vector<16xf32>
    %exp3A_72 = math.exp %neg3A_71 : vector<16xf32>
    %mul3A_73 = arith.mulf %get3A_51, %exp3A_72 : vector<16xf32>
    %add3A_74 = arith.addf %sub3A_68, %mul3A_73 : vector<16xf32>
    %sub3A_75 = arith.constant 1.000000e+00 : f32
    %sub3A_76 = vector.broadcast %sub3A_75 : f32 to vector<16xf32>
    %sub3A_77 = arith.subf %add3A_74, %sub3A_76 : vector<16xf32>
    %neg3A_78 = arith.constant 0.000000e+00 : f32
    %neg3A_79 = vector.broadcast %neg3A_78 : f32 to vector<16xf32>
    %neg3A_80 = arith.subf %neg3A_79, %sub3A_77 : vector<16xf32>
    %exp3A_81 = math.exp %neg3A_80 : vector<16xf32>
    %mul3A_82 = arith.mulf %get3A_51, %exp3A_81 : vector<16xf32>
    %add3A_83 = arith.addf %sub3A_77, %mul3A_82 : vector<16xf32>
    %sub3A_84 = arith.constant 1.000000e+00 : f32
    %sub3A_85 = vector.broadcast %sub3A_84 : f32 to vector<16xf32>
    %sub3A_86 = arith.subf %add3A_83, %sub3A_85 : vector<16xf32>
    %swap3A_87 = arith.constant 16 : index
    %swap3A_88 = tpu.vector_load %arg6[%swap3A_87] {strides = array<i32>} : memref<64xf32, #tpu.memory_space<vmem>>, vector<16xf32>,
    tpu.vector_store %arg6[%swap3A_87], %sub3A_86 {strides = array<i32>} : memref<64xf32, #tpu.memory_space<vmem>>, vector<16xf32>,
    %get3A_89 = arith.constant 32 : index
    %get3A_90 = tpu.vector_load %arg5[%get3A_89] {strides = array<i32>} : memref<64xf32, #tpu.memory_space<vmem>>, vector<16xf32>,
    %bitcast_convert_type3A_91 = tpu.bitcast %get3A_90 : vector<16xf32> -> vector<16xi32>
    %convert_element_type3A_92 = arith.sitofp %bitcast_convert_type3A_91 : vector<16xi32> to vector<16xf32>
    %mul3A_93 = arith.constant 8.26295832E-8 : f32
    %mul3A_94 = vector.broadcast %mul3A_93 : f32 to vector<16xf32>
    %mul3A_95 = arith.mulf %convert_element_type3A_92, %mul3A_94 : vector<16xf32>
    %sub3A_96 = arith.constant 88.0296936 : f32
    %sub3A_97 = vector.broadcast %sub3A_96 : f32 to vector<16xf32>
    %sub3A_98 = arith.subf %mul3A_95, %sub3A_97 : vector<16xf32>
    %neg3A_99 = arith.constant 0.000000e+00 : f32
    %neg3A_100 = vector.broadcast %neg3A_99 : f32 to vector<16xf32>
    %neg3A_101 = arith.subf %neg3A_100, %sub3A_98 : vector<16xf32>
    %exp3A_102 = math.exp %neg3A_101 : vector<16xf32>
    %mul3A_103 = arith.mulf %get3A_90, %exp3A_102 : vector<16xf32>
    %add3A_104 = arith.addf %sub3A_98, %mul3A_103 : vector<16xf32>
    %sub3A_105 = arith.constant 1.000000e+00 : f32
    %sub3A_106 = vector.broadcast %sub3A_105 : f32 to vector<16xf32>
    %sub3A_107 = arith.subf %add3A_104, %sub3A_106 : vector<16xf32>
    %neg3A_108 = arith.constant 0.000000e+00 : f32
    %neg3A_109 = vector.broadcast %neg3A_108 : f32 to vector<16xf32>
    %neg3A_110 = arith.subf %neg3A_109, %sub3A_107 : vector<16xf32>
    %exp3A_111 = math.exp %neg3A_110 : vector<16xf32>
    %mul3A_112 = arith.mulf %get3A_90, %exp3A_111 : vector<16xf32>
    %add3A_113 = arith.addf %sub3A_107, %mul3A_112 : vector<16xf32>
    %sub3A_114 = arith.constant 1.000000e+00 : f32
    %sub3A_115 = vector.broadcast %sub3A_114 : f32 to vector<16xf32>
    %sub3A_116 = arith.subf %add3A_113, %sub3A_115 : vector<16xf32>
    %neg3A_117 = arith.constant 0.000000e+00 : f32
    %neg3A_118 = vector.broadcast %neg3A_117 : f32 to vector<16xf32>
    %neg3A_119 = arith.subf %neg3A_118, %sub3A_116 : vector<16xf32>
    %exp3A_120 = math.exp %neg3A_119 : vector<16xf32>
    %mul3A_121 = arith.mulf %get3A_90, %exp3A_120 : vector<16xf32>
    %add3A_122 = arith.addf %sub3A_116, %mul3A_121 : vector<16xf32>
    %sub3A_123 = arith.constant 1.000000e+00 : f32
    %sub3A_124 = vector.broadcast %sub3A_123 : f32 to vector<16xf32>
    %sub3A_125 = arith.subf %add3A_122, %sub3A_124 : vector<16xf32>
    %swap3A_126 = arith.constant 32 : index
    %swap3A_127 = tpu.vector_load %arg6[%swap3A_126] {strides = array<i32>} : memref<64xf32, #tpu.memory_space<vmem>>, vector<16xf32>,
    tpu.vector_store %arg6[%swap3A_126], %sub3A_125 {strides = array<i32>} : memref<64xf32, #tpu.memory_space<vmem>>, vector<16xf32>,
    %get3A_128 = arith.constant 48 : index
    %get3A_129 = tpu.vector_load %arg5[%get3A_128] {strides = array<i32>} : memref<64xf32, #tpu.memory_space<vmem>>, vector<16xf32>,
    %bitcast_convert_type3A_130 = tpu.bitcast %get3A_129 : vector<16xf32> -> vector<16xi32>
    %convert_element_type3A_131 = arith.sitofp %bitcast_convert_type3A_130 : vector<16xi32> to vector<16xf32>
    %mul3A_132 = arith.constant 8.26295832E-8 : f32
    %mul3A_133 = vector.broadcast %mul3A_132 : f32 to vector<16xf32>
    %mul3A_134 = arith.mulf %convert_element_type3A_131, %mul3A_133 : vector<16xf32>
    %sub3A_135 = arith.constant 88.0296936 : f32
    %sub3A_136 = vector.broadcast %sub3A_135 : f32 to vector<16xf32>
    %sub3A_137 = arith.subf %mul3A_134, %sub3A_136 : vector<16xf32>
    %neg3A_138 = arith.constant 0.000000e+00 : f32
    %neg3A_139 = vector.broadcast %neg3A_138 : f32 to vector<16xf32>
    %neg3A_140 = arith.subf %neg3A_139, %sub3A_137 : vector<16xf32>
    %exp3A_141 = math.exp %neg3A_140 : vector<16xf32>
    %mul3A_142 = arith.mulf %get3A_129, %exp3A_141 : vector<16xf32>
    %add3A_143 = arith.addf %sub3A_137, %mul3A_142 : vector<16xf32>
    %sub3A_144 = arith.constant 1.000000e+00 : f32
    %sub3A_145 = vector.broadcast %sub3A_144 : f32 to vector<16xf32>
    %sub3A_146 = arith.subf %add3A_143, %sub3A_145 : vector<16xf32>
    %neg3A_147 = arith.constant 0.000000e+00 : f32
    %neg3A_148 = vector.broadcast %neg3A_147 : f32 to vector<16xf32>
    %neg3A_149 = arith.subf %neg3A_148, %sub3A_146 : vector<16xf32>
    %exp3A_150 = math.exp %neg3A_149 : vector<16xf32>
    %mul3A_151 = arith.mulf %get3A_129, %exp3A_150 : vector<16xf32>
    %add3A_152 = arith.addf %sub3A_146, %mul3A_151 : vector<16xf32>
    %sub3A_153 = arith.constant 1.000000e+00 : f32
    %sub3A_154 = vector.broadcast %sub3A_153 : f32 to vector<16xf32>
    %sub3A_155 = arith.subf %add3A_152, %sub3A_154 : vector<16xf32>
    %neg3A_156 = arith.constant 0.000000e+00 : f32
    %neg3A_157 = vector.broadcast %neg3A_156 : f32 to vector<16xf32>
    %neg3A_158 = arith.subf %neg3A_157, %sub3A_155 : vector<16xf32>
    %exp3A_159 = math.exp %neg3A_158 : vector<16xf32>
    %mul3A_160 = arith.mulf %get3A_129, %exp3A_159 : vector<16xf32>
    %add3A_161 = arith.addf %sub3A_155, %mul3A_160 : vector<16xf32>
    %sub3A_162 = arith.constant 1.000000e+00 : f32
    %sub3A_163 = vector.broadcast %sub3A_162 : f32 to vector<16xf32>
    %sub3A_164 = arith.subf %add3A_161, %sub3A_163 : vector<16xf32>
    %swap3A_165 = arith.constant 48 : index
    %swap3A_166 = tpu.vector_load %arg6[%swap3A_165] {strides = array<i32>} : memref<64xf32, #tpu.memory_space<vmem>>, vector<16xf32>,
    tpu.vector_store %arg6[%swap3A_165], %sub3A_164 {strides = array<i32>} : memref<64xf32, #tpu.memory_space<vmem>>, vector<16xf32>,
    %add3A_167 = arith.constant 16384 : i32
    %add3A_168 = arith.addi %mul3A_2, %add3A_167 : i32
    %dma_start3A_169 = arith.constant 16384 : i32
    %dma_start3A_170 = tpu.memref_slice %arg7[%dma_start3A_169] : memref<32768xi32, #tpu.memory_space<vmem>> -> memref<8192xi32, #tpu.memory_space<vmem>>
    %dma_start3A_171 = tpu.memref_slice %arg3[%add3A_168] : memref<1048576xi32, #tpu.memory_space<hbm>> -> memref<8192xi32, #tpu.memory_space<hbm>>
    %dma_start3A_172 = arith.constant 16384 : i32
    %dma_start3A_173 = tpu.memref_slice %arg7[%dma_start3A_172] : memref<32768xi32, #tpu.memory_space<vmem>> -> memref<8192xi32, #tpu.memory_space<vmem>>
    %dma_start3A_174 = tpu.memref_slice %arg3[%add3A_168] : memref<1048576xi32, #tpu.memory_space<hbm>> -> memref<8192xi32, #tpu.memory_space<hbm>>
    tpu.enqueue_dma source(%dma_start3A_174 : memref<8192xi32, #tpu.memory_space<hbm>>) target(%dma_start3A_173 : memref<8192xi32, #tpu.memory_space<vmem>>) target_semaphore(%arg12 : memref<!tpu.dma_semaphore, #tpu.memory_space<semaphore_mem>>)
    %dma_wait3A = arith.constant 0 : i32
    %dma_wait3A_175 = tpu.memref_slice %arg7[%dma_wait3A] : memref<32768xi32, #tpu.memory_space<vmem>> -> memref<8192xi32, #tpu.memory_space<vmem>>
    %dma_wait3A_176 = tpu.memref_slice %arg3[%add3A_4] : memref<1048576xi32, #tpu.memory_space<hbm>> -> memref<8192xi32, #tpu.memory_space<hbm>>
    %dma_wait3A_177 = arith.constant 0 : i32
    %dma_wait3A_178 = tpu.memref_slice %arg7[%dma_wait3A_177] : memref<32768xi32, #tpu.memory_space<vmem>> -> memref<8192xi32, #tpu.memory_space<vmem>>
    %dma_wait3A_179 = tpu.memref_slice %arg3[%add3A_4] : memref<1048576xi32, #tpu.memory_space<hbm>> -> memref<8192xi32, #tpu.memory_space<hbm>>
    tpu.wait_dma2 semaphore(%arg10 : memref<!tpu.dma_semaphore, #tpu.memory_space<semaphore_mem>>) src(%dma_wait3A_179 : memref<8192xi32, #tpu.memory_space<hbm>>) dst(%dma_wait3A_178 : memref<8192xi32, #tpu.memory_space<vmem>>)
    %parallel_loop3A = arith.constant 0 : i32
    %parallel_loop3A_180 = arith.constant 8192 : i32
    %parallel_loop3A_181 = arith.constant 16 : i32
    scf.for %parallel_loop3A_273 = %parallel_loop3A to %parallel_loop3A_180 step %parallel_loop3A_181  : i32 {
      %parallel_loop3A_274 = arith.index_cast %parallel_loop3A_273 : i32 to index
      %parallel_loop3A_275 = tpu.vector_load %arg7[%parallel_loop3A_274] {strides = array<i32>} : memref<32768xi32, #tpu.memory_space<vmem>>, vector<16xi32>,
      %parallel_loop3A_276 = tpu.vector_load_idx %arg6[%parallel_loop3A_275] : memref<64xf32, #tpu.memory_space<vmem>>[vector<16xi32>], vector<16xf32>,
      %parallel_loop3A_277 = arith.index_cast %parallel_loop3A_273 : i32 to index
      %parallel_loop3A_278 = tpu.vector_load %arg8[%parallel_loop3A_277] {strides = array<i32>} : memref<32768xf32, #tpu.memory_space<vmem>>, vector<16xf32>,
      tpu.vector_store %arg8[%parallel_loop3A_277], %parallel_loop3A_276 {strides = array<i32>} : memref<32768xf32, #tpu.memory_space<vmem>>, vector<16xf32>,
    } {sc.loop_unroll_factor = 32 : i64, sc.parallel_access}
    %add3A_182 = arith.constant 0 : i32
    %add3A_183 = arith.addi %mul3A_2, %add3A_182 : i32
    %dma_start3A_184 = arith.constant 0 : i32
    %dma_start3A_185 = tpu.memref_slice %arg8[%dma_start3A_184] : memref<32768xf32, #tpu.memory_space<vmem>> -> memref<8192xf32, #tpu.memory_space<vmem>>
    %dma_start3A_186 = tpu.memref_slice %arg4[%add3A_183] : memref<1048576xf32, #tpu.memory_space<hbm>> -> memref<8192xf32, #tpu.memory_space<hbm>>
    %dma_start3A_187 = tpu.memref_slice %arg4[%add3A_183] : memref<1048576xf32, #tpu.memory_space<hbm>> -> memref<8192xf32, #tpu.memory_space<hbm>>
    %dma_start3A_188 = arith.constant 0 : i32
    %dma_start3A_189 = tpu.memref_slice %arg8[%dma_start3A_188] : memref<32768xf32, #tpu.memory_space<vmem>> -> memref<8192xf32, #tpu.memory_space<vmem>>
    tpu.enqueue_dma source(%dma_start3A_189 : memref<8192xf32, #tpu.memory_space<vmem>>) target(%dma_start3A_187 : memref<8192xf32, #tpu.memory_space<hbm>>) target_semaphore(%arg14 : memref<!tpu.dma_semaphore, #tpu.memory_space<semaphore_mem>>)
    %add3A_190 = arith.constant 24576 : i32
    %add3A_191 = arith.addi %mul3A_2, %add3A_190 : i32
    %dma_start3A_192 = arith.constant 24576 : i32
    %dma_start3A_193 = tpu.memref_slice %arg7[%dma_start3A_192] : memref<32768xi32, #tpu.memory_space<vmem>> -> memref<8192xi32, #tpu.memory_space<vmem>>
    %dma_start3A_194 = tpu.memref_slice %arg3[%add3A_191] : memref<1048576xi32, #tpu.memory_space<hbm>> -> memref<8192xi32, #tpu.memory_space<hbm>>
    %dma_start3A_195 = arith.constant 24576 : i32
    %dma_start3A_196 = tpu.memref_slice %arg7[%dma_start3A_195] : memref<32768xi32, #tpu.memory_space<vmem>> -> memref<8192xi32, #tpu.memory_space<vmem>>
    %dma_start3A_197 = tpu.memref_slice %arg3[%add3A_191] : memref<1048576xi32, #tpu.memory_space<hbm>> -> memref<8192xi32, #tpu.memory_space<hbm>>
    tpu.enqueue_dma source(%dma_start3A_197 : memref<8192xi32, #tpu.memory_space<hbm>>) target(%dma_start3A_196 : memref<8192xi32, #tpu.memory_space<vmem>>) target_semaphore(%arg13 : memref<!tpu.dma_semaphore, #tpu.memory_space<semaphore_mem>>)
    %dma_wait3A_198 = arith.constant 8192 : i32
    %dma_wait3A_199 = tpu.memref_slice %arg7[%dma_wait3A_198] : memref<32768xi32, #tpu.memory_space<vmem>> -> memref<8192xi32, #tpu.memory_space<vmem>>
    %dma_wait3A_200 = tpu.memref_slice %arg3[%add3A_11] : memref<1048576xi32, #tpu.memory_space<hbm>> -> memref<8192xi32, #tpu.memory_space<hbm>>
    %dma_wait3A_201 = arith.constant 8192 : i32
    %dma_wait3A_202 = tpu.memref_slice %arg7[%dma_wait3A_201] : memref<32768xi32, #tpu.memory_space<vmem>> -> memref<8192xi32, #tpu.memory_space<vmem>>
    %dma_wait3A_203 = tpu.memref_slice %arg3[%add3A_11] : memref<1048576xi32, #tpu.memory_space<hbm>> -> memref<8192xi32, #tpu.memory_space<hbm>>
    tpu.wait_dma2 semaphore(%arg11 : memref<!tpu.dma_semaphore, #tpu.memory_space<semaphore_mem>>) src(%dma_wait3A_203 : memref<8192xi32, #tpu.memory_space<hbm>>) dst(%dma_wait3A_202 : memref<8192xi32, #tpu.memory_space<vmem>>)
    %parallel_loop3A_204 = arith.constant 8192 : i32
    %parallel_loop3A_205 = arith.constant 16384 : i32
    %parallel_loop3A_206 = arith.constant 16 : i32
    scf.for %parallel_loop3A_273 = %parallel_loop3A_204 to %parallel_loop3A_205 step %parallel_loop3A_206  : i32 {
      %parallel_loop3A_274 = arith.index_cast %parallel_loop3A_273 : i32 to index
      %parallel_loop3A_275 = tpu.vector_load %arg7[%parallel_loop3A_274] {strides = array<i32>} : memref<32768xi32, #tpu.memory_space<vmem>>, vector<16xi32>,
      %parallel_loop3A_276 = tpu.vector_load_idx %arg6[%parallel_loop3A_275] : memref<64xf32, #tpu.memory_space<vmem>>[vector<16xi32>], vector<16xf32>,
      %parallel_loop3A_277 = arith.index_cast %parallel_loop3A_273 : i32 to index
      %parallel_loop3A_278 = tpu.vector_load %arg8[%parallel_loop3A_277] {strides = array<i32>} : memref<32768xf32, #tpu.memory_space<vmem>>, vector<16xf32>,
      tpu.vector_store %arg8[%parallel_loop3A_277], %parallel_loop3A_276 {strides = array<i32>} : memref<32768xf32, #tpu.memory_space<vmem>>, vector<16xf32>,
    } {sc.loop_unroll_factor = 32 : i64, sc.parallel_access}
    %add3A_207 = arith.constant 8192 : i32
    %add3A_208 = arith.addi %mul3A_2, %add3A_207 : i32
    %dma_start3A_209 = arith.constant 8192 : i32
    %dma_start3A_210 = tpu.memref_slice %arg8[%dma_start3A_209] : memref<32768xf32, #tpu.memory_space<vmem>> -> memref<8192xf32, #tpu.memory_space<vmem>>
    %dma_start3A_211 = tpu.memref_slice %arg4[%add3A_208] : memref<1048576xf32, #tpu.memory_space<hbm>> -> memref<8192xf32, #tpu.memory_space<hbm>>
    %dma_start3A_212 = tpu.memref_slice %arg4[%add3A_208] : memref<1048576xf32, #tpu.memory_space<hbm>> -> memref<8192xf32, #tpu.memory_space<hbm>>
    %dma_start3A_213 = arith.constant 8192 : i32
    %dma_start3A_214 = tpu.memref_slice %arg8[%dma_start3A_213] : memref<32768xf32, #tpu.memory_space<vmem>> -> memref<8192xf32, #tpu.memory_space<vmem>>
    tpu.enqueue_dma source(%dma_start3A_214 : memref<8192xf32, #tpu.memory_space<vmem>>) target(%dma_start3A_212 : memref<8192xf32, #tpu.memory_space<hbm>>) target_semaphore(%arg15 : memref<!tpu.dma_semaphore, #tpu.memory_space<semaphore_mem>>)
    %dma_wait3A_215 = arith.constant 16384 : i32
    %dma_wait3A_216 = tpu.memref_slice %arg7[%dma_wait3A_215] : memref<32768xi32, #tpu.memory_space<vmem>> -> memref<8192xi32, #tpu.memory_space<vmem>>
    %dma_wait3A_217 = tpu.memref_slice %arg3[%add3A_168] : memref<1048576xi32, #tpu.memory_space<hbm>> -> memref<8192xi32, #tpu.memory_space<hbm>>
    %dma_wait3A_218 = arith.constant 16384 : i32
    %dma_wait3A_219 = tpu.memref_slice %arg7[%dma_wait3A_218] : memref<32768xi32, #tpu.memory_space<vmem>> -> memref<8192xi32, #tpu.memory_space<vmem>>
    %dma_wait3A_220 = tpu.memref_slice %arg3[%add3A_168] : memref<1048576xi32, #tpu.memory_space<hbm>> -> memref<8192xi32, #tpu.memory_space<hbm>>
    tpu.wait_dma2 semaphore(%arg12 : memref<!tpu.dma_semaphore, #tpu.memory_space<semaphore_mem>>) src(%dma_wait3A_220 : memref<8192xi32, #tpu.memory_space<hbm>>) dst(%dma_wait3A_219 : memref<8192xi32, #tpu.memory_space<vmem>>)
    %parallel_loop3A_221 = arith.constant 16384 : i32
    %parallel_loop3A_222 = arith.constant 24576 : i32
    %parallel_loop3A_223 = arith.constant 16 : i32
    scf.for %parallel_loop3A_273 = %parallel_loop3A_221 to %parallel_loop3A_222 step %parallel_loop3A_223  : i32 {
      %parallel_loop3A_274 = arith.index_cast %parallel_loop3A_273 : i32 to index
      %parallel_loop3A_275 = tpu.vector_load %arg7[%parallel_loop3A_274] {strides = array<i32>} : memref<32768xi32, #tpu.memory_space<vmem>>, vector<16xi32>,
      %parallel_loop3A_276 = tpu.vector_load_idx %arg6[%parallel_loop3A_275] : memref<64xf32, #tpu.memory_space<vmem>>[vector<16xi32>], vector<16xf32>,
      %parallel_loop3A_277 = arith.index_cast %parallel_loop3A_273 : i32 to index
      %parallel_loop3A_278 = tpu.vector_load %arg8[%parallel_loop3A_277] {strides = array<i32>} : memref<32768xf32, #tpu.memory_space<vmem>>, vector<16xf32>,
      tpu.vector_store %arg8[%parallel_loop3A_277], %parallel_loop3A_276 {strides = array<i32>} : memref<32768xf32, #tpu.memory_space<vmem>>, vector<16xf32>,
    } {sc.loop_unroll_factor = 32 : i64, sc.parallel_access}
    %add3A_224 = arith.constant 16384 : i32
    %add3A_225 = arith.addi %mul3A_2, %add3A_224 : i32
    %dma_start3A_226 = arith.constant 16384 : i32
    %dma_start3A_227 = tpu.memref_slice %arg8[%dma_start3A_226] : memref<32768xf32, #tpu.memory_space<vmem>> -> memref<8192xf32, #tpu.memory_space<vmem>>
    %dma_start3A_228 = tpu.memref_slice %arg4[%add3A_225] : memref<1048576xf32, #tpu.memory_space<hbm>> -> memref<8192xf32, #tpu.memory_space<hbm>>
    %dma_start3A_229 = tpu.memref_slice %arg4[%add3A_225] : memref<1048576xf32, #tpu.memory_space<hbm>> -> memref<8192xf32, #tpu.memory_space<hbm>>
    %dma_start3A_230 = arith.constant 16384 : i32
    %dma_start3A_231 = tpu.memref_slice %arg8[%dma_start3A_230] : memref<32768xf32, #tpu.memory_space<vmem>> -> memref<8192xf32, #tpu.memory_space<vmem>>
    tpu.enqueue_dma source(%dma_start3A_231 : memref<8192xf32, #tpu.memory_space<vmem>>) target(%dma_start3A_229 : memref<8192xf32, #tpu.memory_space<hbm>>) target_semaphore(%arg16 : memref<!tpu.dma_semaphore, #tpu.memory_space<semaphore_mem>>)
    %dma_wait3A_232 = arith.constant 24576 : i32
    %dma_wait3A_233 = tpu.memref_slice %arg7[%dma_wait3A_232] : memref<32768xi32, #tpu.memory_space<vmem>> -> memref<8192xi32, #tpu.memory_space<vmem>>
    %dma_wait3A_234 = tpu.memref_slice %arg3[%add3A_191] : memref<1048576xi32, #tpu.memory_space<hbm>> -> memref<8192xi32, #tpu.memory_space<hbm>>
    %dma_wait3A_235 = arith.constant 24576 : i32
    %dma_wait3A_236 = tpu.memref_slice %arg7[%dma_wait3A_235] : memref<32768xi32, #tpu.memory_space<vmem>> -> memref<8192xi32, #tpu.memory_space<vmem>>
    %dma_wait3A_237 = tpu.memref_slice %arg3[%add3A_191] : memref<1048576xi32, #tpu.memory_space<hbm>> -> memref<8192xi32, #tpu.memory_space<hbm>>
    tpu.wait_dma2 semaphore(%arg13 : memref<!tpu.dma_semaphore, #tpu.memory_space<semaphore_mem>>) src(%dma_wait3A_237 : memref<8192xi32, #tpu.memory_space<hbm>>) dst(%dma_wait3A_236 : memref<8192xi32, #tpu.memory_space<vmem>>)
    %parallel_loop3A_238 = arith.constant 24576 : i32
    %parallel_loop3A_239 = arith.constant 32768 : i32
    %parallel_loop3A_240 = arith.constant 16 : i32
    scf.for %parallel_loop3A_273 = %parallel_loop3A_238 to %parallel_loop3A_239 step %parallel_loop3A_240  : i32 {
      %parallel_loop3A_274 = arith.index_cast %parallel_loop3A_273 : i32 to index
      %parallel_loop3A_275 = tpu.vector_load %arg7[%parallel_loop3A_274] {strides = array<i32>} : memref<32768xi32, #tpu.memory_space<vmem>>, vector<16xi32>,
      %parallel_loop3A_276 = tpu.vector_load_idx %arg6[%parallel_loop3A_275] : memref<64xf32, #tpu.memory_space<vmem>>[vector<16xi32>], vector<16xf32>,
      %parallel_loop3A_277 = arith.index_cast %parallel_loop3A_273 : i32 to index
      %parallel_loop3A_278 = tpu.vector_load %arg8[%parallel_loop3A_277] {strides = array<i32>} : memref<32768xf32, #tpu.memory_space<vmem>>, vector<16xf32>,
      tpu.vector_store %arg8[%parallel_loop3A_277], %parallel_loop3A_276 {strides = array<i32>} : memref<32768xf32, #tpu.memory_space<vmem>>, vector<16xf32>,
    } {sc.loop_unroll_factor = 32 : i64, sc.parallel_access}
    %add3A_241 = arith.constant 24576 : i32
    %add3A_242 = arith.addi %mul3A_2, %add3A_241 : i32
    %dma_start3A_243 = arith.constant 24576 : i32
    %dma_start3A_244 = tpu.memref_slice %arg8[%dma_start3A_243] : memref<32768xf32, #tpu.memory_space<vmem>> -> memref<8192xf32, #tpu.memory_space<vmem>>
    %dma_start3A_245 = tpu.memref_slice %arg4[%add3A_242] : memref<1048576xf32, #tpu.memory_space<hbm>> -> memref<8192xf32, #tpu.memory_space<hbm>>
    %dma_start3A_246 = tpu.memref_slice %arg4[%add3A_242] : memref<1048576xf32, #tpu.memory_space<hbm>> -> memref<8192xf32, #tpu.memory_space<hbm>>
    %dma_start3A_247 = arith.constant 24576 : i32
    %dma_start3A_248 = tpu.memref_slice %arg8[%dma_start3A_247] : memref<32768xf32, #tpu.memory_space<vmem>> -> memref<8192xf32, #tpu.memory_space<vmem>>
    tpu.enqueue_dma source(%dma_start3A_248 : memref<8192xf32, #tpu.memory_space<vmem>>) target(%dma_start3A_246 : memref<8192xf32, #tpu.memory_space<hbm>>) target_semaphore(%arg17 : memref<!tpu.dma_semaphore, #tpu.memory_space<semaphore_mem>>)
    %dma_wait3A_249 = arith.constant 0 : i32
    %dma_wait3A_250 = tpu.memref_slice %arg8[%dma_wait3A_249] : memref<32768xf32, #tpu.memory_space<vmem>> -> memref<8192xf32, #tpu.memory_space<vmem>>
    %dma_wait3A_251 = tpu.memref_slice %arg4[%add3A_183] : memref<1048576xf32, #tpu.memory_space<hbm>> -> memref<8192xf32, #tpu.memory_space<hbm>>
    %dma_wait3A_252 = tpu.memref_slice %arg4[%add3A_183] : memref<1048576xf32, #tpu.memory_space<hbm>> -> memref<8192xf32, #tpu.memory_space<hbm>>
    %dma_wait3A_253 = arith.constant 0 : i32
    %dma_wait3A_254 = tpu.memref_slice %arg8[%dma_wait3A_253] : memref<32768xf32, #tpu.memory_space<vmem>> -> memref<8192xf32, #tpu.memory_space<vmem>>
    tpu.wait_dma2 semaphore(%arg14 : memref<!tpu.dma_semaphore, #tpu.memory_space<semaphore_mem>>) src(%dma_wait3A_254 : memref<8192xf32, #tpu.memory_space<vmem>>) dst(%dma_wait3A_252 : memref<8192xf32, #tpu.memory_space<hbm>>)
    %dma_wait3A_255 = arith.constant 8192 : i32
    %dma_wait3A_256 = tpu.memref_slice %arg8[%dma_wait3A_255] : memref<32768xf32, #tpu.memory_space<vmem>> -> memref<8192xf32, #tpu.memory_space<vmem>>
    %dma_wait3A_257 = tpu.memref_slice %arg4[%add3A_208] : memref<1048576xf32, #tpu.memory_space<hbm>> -> memref<8192xf32, #tpu.memory_space<hbm>>
    %dma_wait3A_258 = tpu.memref_slice %arg4[%add3A_208] : memref<1048576xf32, #tpu.memory_space<hbm>> -> memref<8192xf32, #tpu.memory_space<hbm>>
    %dma_wait3A_259 = arith.constant 8192 : i32
    %dma_wait3A_260 = tpu.memref_slice %arg8[%dma_wait3A_259] : memref<32768xf32, #tpu.memory_space<vmem>> -> memref<8192xf32, #tpu.memory_space<vmem>>
    tpu.wait_dma2 semaphore(%arg15 : memref<!tpu.dma_semaphore, #tpu.memory_space<semaphore_mem>>) src(%dma_wait3A_260 : memref<8192xf32, #tpu.memory_space<vmem>>) dst(%dma_wait3A_258 : memref<8192xf32, #tpu.memory_space<hbm>>)
    %dma_wait3A_261 = arith.constant 16384 : i32
    %dma_wait3A_262 = tpu.memref_slice %arg8[%dma_wait3A_261] : memref<32768xf32, #tpu.memory_space<vmem>> -> memref<8192xf32, #tpu.memory_space<vmem>>
    %dma_wait3A_263 = tpu.memref_slice %arg4[%add3A_225] : memref<1048576xf32, #tpu.memory_space<hbm>> -> memref<8192xf32, #tpu.memory_space<hbm>>
    %dma_wait3A_264 = tpu.memref_slice %arg4[%add3A_225] : memref<1048576xf32, #tpu.memory_space<hbm>> -> memref<8192xf32, #tpu.memory_space<hbm>>
    %dma_wait3A_265 = arith.constant 16384 : i32
    %dma_wait3A_266 = tpu.memref_slice %arg8[%dma_wait3A_265] : memref<32768xf32, #tpu.memory_space<vmem>> -> memref<8192xf32, #tpu.memory_space<vmem>>
    tpu.wait_dma2 semaphore(%arg16 : memref<!tpu.dma_semaphore, #tpu.memory_space<semaphore_mem>>) src(%dma_wait3A_266 : memref<8192xf32, #tpu.memory_space<vmem>>) dst(%dma_wait3A_264 : memref<8192xf32, #tpu.memory_space<hbm>>)
    %dma_wait3A_267 = arith.constant 24576 : i32
    %dma_wait3A_268 = tpu.memref_slice %arg8[%dma_wait3A_267] : memref<32768xf32, #tpu.memory_space<vmem>> -> memref<8192xf32, #tpu.memory_space<vmem>>
    %dma_wait3A_269 = tpu.memref_slice %arg4[%add3A_242] : memref<1048576xf32, #tpu.memory_space<hbm>> -> memref<8192xf32, #tpu.memory_space<hbm>>
    %dma_wait3A_270 = tpu.memref_slice %arg4[%add3A_242] : memref<1048576xf32, #tpu.memory_space<hbm>> -> memref<8192xf32, #tpu.memory_space<hbm>>
    %dma_wait3A_271 = arith.constant 24576 : i32
    %dma_wait3A_272 = tpu.memref_slice %arg8[%dma_wait3A_271] : memref<32768xf32, #tpu.memory_space<vmem>> -> memref<8192xf32, #tpu.memory_space<vmem>>
    tpu.wait_dma2 semaphore(%arg17 : memref<!tpu.dma_semaphore, #tpu.memory_space<semaphore_mem>>) src(%dma_wait3A_272 : memref<8192xf32, #tpu.memory_space<vmem>>) dst(%dma_wait3A_270 : memref<8192xf32, #tpu.memory_space<hbm>>)
    return
  }
}

</mosaic_0001>

<sc_bundles>
// kernel: kernel.3.cloned.1.call-start
scs
__scs_entry_jumppad:
0x0: {  	(pc) =	sbr.rel $0x88, $3  }
0x1: {  	(tag) =	ssettag $0x0;
	lr =	simm.s32 $0x1  }
0x2: {  	[smem:$0x3F9F] =	sst lr;
	_ =	strace $0xD0000000  }
0x3: {  	_ = 	snop  }
0x4: {  	_ = 	snop  }
0x5: {  	_ = 	snop  }
0x6: {  	_ = 	snop  }
0x7: {  	_ = 	snop  }
__scs_overlays_trampoline_lowered:
0x8: {  	[smem:$0x3FAE] =	sst s0  }
0x9: {  	[smem:$0x3FAF] =	sst s1  }
0xa: {  	[smem:$0x3FB0] =	sst s2  }
0xb: {  	[smem:$0x3FB1] =	sst s3  }
0xc: {  	[smem:$0x3FB2] =	sst s4  }
0xd: {  	[smem:$0x3FB3] =	sst s5  }
0xe: {  	[smem:$0x3FB4] =	sst s6  }
0xf: {  	[smem:$0x3FB5] =	sst s7  }
0x10: {  	[smem:$0x3FB6] =	sst s8  }
0x11: {  	[smem:$0x3FB7] =	sst s9;
	s0 =	simm.s32 @!p0 $0x0  }
0x12: {  	s1 =	sld [smem:$0x3F9D];
	s0 =	simm.s32 @p0 $0x1  }
0x13: {  	[smem:$0x3FB8] =	sst s0;
	s0 =	simm.s32 @!p1 $0x0  }
0x14: {  	s2 =	sld [smem:$0x3F9C];
	s0 =	simm.s32 @p1 $0x1  }
0x15: {  	[smem:$0x3FB9] =	sst s0;
	s0 =	simm.s32 @!p2 $0x0  }
0x16: {  	s3 =	sld [smem:$0x3FDB];
	s0 =	simm.s32 @p2 $0x1  }
0x17: {  	s4 =	simm.s32 $0x1BF5;
	[smem:$0x3FBB] =	sst s0  }
0x18: {  	s0 =	sld [smem:$0x3F9E];
	_ =	swait.ge [sflag:s4], $0x0  }
0x19: {  	s7 =	sld [smem:$0x3F9F]  }
0x1a: {  	s8 =	sadd.s32 $0xFFFFE003, lr  }
0x1b: {  	s9 =	sadd.s32 $0xFFFFFEF7, lr;
	s5 =	simm.s32 $0xFFFFFFFF;
	p2 =	slt.u32 s8, $0xFFFFF086  }
0x1c: {  	p1 =	slt.u32 s9, $0xF7A;
	s5 =	simm.s32 @!p2 $0x0  }
0x1d: {  	s5 =	simm.s32 @p1 $0x1;
	p0 =	seq.s32 s7, s2  }
0x1e: {  	s7 =	smul.u32 @!p0 $0xF7A, s2;
	p2 =	seq.s32 @!p0 s5, $0x0  }
0x1f: {  	s9 =	smul.u32 $0xF7A, s1;
	s8 =	simm.s32 @!p0 $0x1BF5;
	p2 =	por !p2, p0  }
0x20: {  	[sflag:s8] =	ssyncset.s32 @!p0 $0xFFFFF086;
	s6 =	sadd.s32 @!p0 s3, s7;
	s7 =	simm.s32 @!p0 $0x108  }
0x21: {  	s3 =	sadd.s32 s3, s9;
	s6 =	sadd.s32 @!p0 $0x88, s6;
	s7 =	simm.s32 @p2 $0x1082  }
0x22: {  	[simem:s7], [sflag:s8] =	dma.local @!p0 [hbm:s6], $0xF7A  }
0x23: {  	s9 =	sor.u32 $0xD0000000, s2;
	s6 =	simm.s32 $0x108;
	_ =	swait.ge @!p0 [sflag:s8], $0x0  }
0x24: {  	s3 =	sadd.s32 $0x88, s3;
	s6 =	simm.s32 @!p1 $0x1082;
	[sflag:s4] =	ssyncset.s32 $0xFFFFF086  }
0x25: {  	[simem:s6], [sflag:s4] =	dma.local [hbm:s3], $0xF7A  }
0x26: {  	[smem:$0x3F9F] =	sst s1;
	(tag) =	ssettag s2;
	_ =	strace s9  }
0x27: {  	s1 =	sld [smem:$0x3FAF]  }
0x28: {  	s2 =	sld [smem:$0x3FB0]  }
0x29: {  	s4 =	sld [smem:$0x3FB2]  }
0x2a: {  	p0 =	seq.s32 s5, $0x0;
	s5 =	sld [smem:$0x3FB3]  }
0x2b: {  	s6 =	sld [smem:$0x3FB4]  }
0x2c: {  	s7 =	sld [smem:$0x3FB5]  }
0x2d: {  	s3 =	simm.s32 $0x108;
	s8 =	sld [smem:$0x3FB6]  }
0x2e: {  	s3 =	simm.s32 @!p0 $0x1082;
	s9 =	sld [smem:$0x3FB7]  }
0x2f: {  	lr =	sadd.s32 s0, s3;
	s0 =	sld [smem:$0x3FAE]  }
0x30: {  	s3 =	sld [smem:$0x3FB1]  }
0x31: {  	[smem:$0x3FBA] =	sst s10  }
0x32: {  	s10 =	sld [smem:$0x3FB8];
	_ =	sdelay $0x3  }
0x33: {  	p0 =	seq.s32 s10, $0x1;
	s10 =	sld [smem:$0x3FBA];
	_ =	sdelay $0x3  }
0x34: {  	[smem:$0x3FBA] =	sst s10  }
0x35: {  	s10 =	sld [smem:$0x3FB9];
	_ =	sdelay $0x3  }
0x36: {  	p1 =	seq.s32 s10, $0x1;
	s10 =	sld [smem:$0x3FBA];
	_ =	sdelay $0x3  }
0x37: {  	[smem:$0x3FBA] =	sst s10  }
0x38: {  	s10 =	sld [smem:$0x3FBB]  }
0x39: {  	_ = 	snop;
	(pc) =	sbr.ind lr, $3  }
0x3a: {  	_ = 	snop  }
0x3b: {  	_ = 	snop  }
0x3c: {  	p2 =	seq.s32 s10, $0x1;
	s10 =	sld [smem:$0x3FBA]  }
0x3d: {  	_ =	shalt  }
0x3e: {  	_ =	shalt  }
0x3f: {  	_ =	shalt  }
0x40: {  	_ =	shalt  }
0x41: {  	_ =	shalt  }
0x42: {  	_ =	shalt  }
0x43: {  	_ =	shalt  }
0x44: {  	_ =	shalt  }
0x45: {  	_ =	shalt  }
0x46: {  	_ =	shalt  }
0x47: {  	_ =	shalt  }
0x48: {  	_ =	shalt  }
0x49: {  	_ =	shalt  }
0x4a: {  	_ =	shalt  }
0x4b: {  	_ =	shalt  }
0x4c: {  	_ =	shalt  }
0x4d: {  	_ =	shalt  }
0x4e: {  	_ =	shalt  }
0x4f: {  	_ =	shalt  }
0x50: {  	_ =	shalt  }
0x51: {  	_ =	shalt  }
0x52: {  	_ =	shalt  }
0x53: {  	_ =	shalt  }
0x54: {  	_ =	shalt  }
0x55: {  	_ =	shalt  }
0x56: {  	_ =	shalt  }
0x57: {  	_ =	shalt  }
0x58: {  	_ =	shalt  }
0x59: {  	_ =	shalt  }
0x5a: {  	_ =	shalt  }
0x5b: {  	_ =	shalt  }
0x5c: {  	_ =	shalt  }
0x5d: {  	_ =	shalt  }
0x5e: {  	_ =	shalt  }
0x5f: {  	_ =	shalt  }
0x60: {  	_ =	shalt  }
0x61: {  	_ =	shalt  }
0x62: {  	_ =	shalt  }
0x63: {  	_ =	shalt  }
0x64: {  	_ =	shalt  }
0x65: {  	_ =	shalt  }
0x66: {  	_ =	shalt  }
0x67: {  	_ =	shalt  }
0x68: {  	_ =	shalt  }
0x69: {  	_ =	shalt  }
0x6a: {  	_ =	shalt  }
0x6b: {  	_ =	shalt  }
0x6c: {  	_ =	shalt  }
0x6d: {  	_ =	shalt  }
0x6e: {  	_ =	shalt  }
0x6f: {  	_ =	shalt  }
0x70: {  	_ =	shalt  }
0x71: {  	_ =	shalt  }
0x72: {  	_ =	shalt  }
0x73: {  	_ =	shalt  }
0x74: {  	_ =	shalt  }
0x75: {  	_ =	shalt  }
0x76: {  	_ =	shalt  }
0x77: {  	_ =	shalt  }
0x78: {  	_ =	shalt  }
0x79: {  	_ =	shalt  }
0x7a: {  	_ =	shalt  }
0x7b: {  	_ =	shalt  }
0x7c: {  	_ =	shalt  }
0x7d: {  	_ =	shalt  }
0x7e: {  	_ =	shalt  }
0x7f: {  	_ =	shalt  }
0x80: {  	_ =	shalt  }
0x81: {  	_ =	shalt  }
0x82: {  	_ =	shalt  }
0x83: {  	_ =	shalt  }
0x84: {  	_ =	shalt  }
0x85: {  	_ =	shalt  }
0x86: {  	_ =	shalt  }
0x87: {  	_ =	shalt  }
.Lfunc_end0:
.L_simem_size_0:
called_computation_lowered:
.L_overlay_start_0:
0x88: {  	s2 =	sld [smem:$0x3FD9]  }
0x89: {  	s3 =	sld [smem:$0x3FFE];
	_ =	sdelay $0x1  }
0x8a: {  	s1 =	srdreg.scid  }
0x8b: {  	s0 =	sand.u32 $0x1, s1  }
0x8c: {  	s18 =	sshll.u32 s0, $0xA;
	s2 =	sadd.s32 s3, s2  }
0x8d: {  	s2 =	sadd.s32 s2, s18  }
0x8e: {  	[smem:$0x3FC6] =	sst s2  }
0x8f: {  	_ = 	snop  }
0x90: {  	s2 =	sld [smem:$0x3FC9]  }
0x91: {  	s19 =	sld [smem:$0x3FC8]  }
0x92: {  	s4 =	sld [smem:$0x3FD0];
	(tm) =	ssettm $0x1  }
0x93: {  	s5 =	sld [smem:$0x3FFB];
	_ =	sdelay $0x3  }
0x94: {  	_ =	strace s5  }
0x95: {  	s5 =	sld [smem:$0x3FFC];
	_ =	sdelay $0x3  }
0x96: {  	_ =	strace s5  }
0x97: {  	s5 =	sld [smem:$0x3FFD];
	_ =	sdelay $0x3  }
0x98: {  	_ =	strace s5  }
0x99: {  	_ =	strace $0x8FFFFFFF  }
0x9a: {  	s20 =	sld [smem:$0x3FDB];
	_ =	sdelay $0x1  }
0x9b: {  	s6 =	simm.s32 $_scs_section_size  }
0x9c: {  	s7 =	simm.s32 $_size__tile_overlayer_lowered;
	s8 =	simm.s32 $_tile_overlayer_lowered  }
0x9d: {  	s23 =	simm.s32 $0x1BFF;
	s22 =	sshll.u32 s8, $0x1;
	s5 =	sadd.s32 s6, s20  }
0x9e: {  	s9 =	simm.s32 $0x0;
	s21 =	sshll.u32 s7, $0x1;
	s7 =	sadd.s32 s22, s5  }
0x9f: {  	[timem:s9], [sflag:s23] =	dma.local [hbm:s7], s21  }
0xa0: {  	_ =	swait.ge [sflag:s23], s21  }
0xa1: {  	s6 =	ssub.s32 $0x0, s21;
	[sflag:s23] =	ssyncset.done $0x0  }
0xa2: {  	[sflag:s23] =	ssyncadd.s32 s6;
	_ =	sdelay $0x1  }
0xa3: {  	s24 =	simm.s32 $0x1B8B  }
0xa4: {  	_ =	swait.ge [sflag:s24], $0x1  }
0xa5: {  	[sflag:s24] =	ssyncset.done $0x0  }
0xa6: {  	s25 =	simm.s32 $0x1B8E;
	[sflag:s24] =	ssyncadd.s32 $0xFFFFFFFF  }
0xa7: {  	s26 =	simm.s32 $execute0_lowered;
	[smem:$0x3FD2] =	sst s25  }
0xa8: {  	s6 =	sshll.u32 s26, $0x1;
	_ =	strace $0x80000046;
	[dreg:$0x1] =	wrdreg $0xFFFFFFFF  }
0xa9: {  	s28 =	simm.s32 $_size_execute0_lowered;
	s5 =	sadd.s32 s5, s6;
	[dreg:$0x0] =	wrdreg $0x0  }
0xaa: {  	s6 =	sshll.u32 s28, $0x1;
	[dreg:$0x2] =	wrdreg s5  }
0xab: {  	[dreg:$0x3] =	wrdreg s6  }
0xac: {  	[dreg:$0x4] =	wrdreg $0xC0  }
0xad: {  	_ =	task [dreg:s9], $0x5FFFF  }
0xae: {  	[dreg:$0x1] =	wrdreg $0xFFFFFFFF  }
0xaf: {  	[dreg:$0x0] =	wrdreg $0x60  }
0xb0: {  	[dreg:$0x2] =	wrdreg s19  }
0xb1: {  	[dreg:$0x3] =	wrdreg s2  }
0xb2: {  	[dreg:$0x4] =	wrdreg s4  }
0xb3: {  	[dreg:$0x5] =	wrdreg $0x9  }
0xb4: {  	_ =	task.clear_ibuf [dreg:s9], $0x6FFFF;
	_ =	strace $0x90000046  }
0xb5: {  	s29 =	simm.s32 $0x9;
	_ =	strace $0x80000048  }
0xb6: {  	_ =	swait.ge [sflag:s29], $0x1  }
0xb7: {  	[sflag:s29] =	ssyncadd.s32 $0xFFFFFFFF  }
0xb8: {  	_ =	strace $0x90000048  }
0xb9: {  	_ =	sfence  }
0xba: {  	s30 =	sld [smem:$0x0];
	_ =	sdelay $0x2  }
0xbb: {  	s31 =	sshll.u32 s1, $0xD;
	s1 =	sshrl.u32 s1, $0x2  }
0xbc: {  	s3 =	sand.u32 $0x4000, s31;
	s1 =	sadd.s32 s1, s30  }
0xbd: {  	s0 =	sor.u32 s3, s0;
	s1 =	sshll.u32 s1, $0x11  }
0xbe: {  	s0 =	sor.u32 s1, s0  }
0xbf: {  	s0 =	sadd.s32 $0x8F2B, s0  }
0xc0: {  	[sflag:s0] =	ssyncadd.remote.s32 $0x1  }
0xc1: {  	_ =	sfence.sel $0xFFFF  }
0xc2: {  	[dreg:$0x0] =	wrdreg $0xFFFFFFFF;
	(pc) =	sbr.abs _section_cstart, $3  }
0xc3: {  	[dreg:$0x1] =	wrdreg $0xFFFFFFFF  }
0xc4: {  	_ =	task.clear_ibuf [dreg:s9], $0x2FFFF;
	_ =	strace $0x9FFFFFFF  }
0xc5: {  	(tm) =	ssettm $0x7FFFFFFF  }
tec
execute0_lowered:
.L_overlay_start_1:
0x0: {  	(tag) =	ssettag $0x1  }
0x1: {  	s0 =	rddreg [dreg:$0x1]  }
0x2: {  	s1 =	rddreg [dreg:$0x2];
	s2 =	srdreg.scid;
	s3 =	simm.s32 $0x0  }
0x3: {  	s5 =	stileid.u32;
	s15 =	simm.s32 $0x1;
	s16 =	simm.s32 $0x4100  }
0x4: {  	s17 =	simm.s32 $0x2;
	s18 =	simm.s32 $0x80;
	s19 =	simm.s32 $0x8100  }
0x5: {  	s20 =	simm.s32 $0x6100;
	s21 =	simm.s32 $0x3;
	s22 =	simm.s32 $0xA100  }
0x6: {  	s23 =	simm.s32 $0x4;
	s24 =	simm.s32 $0xC100;
	s25 =	simm.s32 $0x5  }
0x7: {  	s26 =	simm.s32 $0xE100;
	s28 =	simm.s32 $0x6;
	s29 =	simm.s32 $0x7  }
0x8: {  	s30 =	simm.s32 $0x8;
	s31 =	simm.s32 $0x9;
	s2 =	sand.u32 $0x1, s2  }
0x9: {  	s5 =	sshll.u32 s5, $0xD;
	s4 =	ssub.s32 $0x2, s2;
	s2 =	sshll.u32 s2, $0xC  }
0xa: {  	[smem:$0x7FF] =	sst s3;
	s6 =	sshrl.u32 s4, $0x1;
	s2 =	sor.u32 s2, s5  }
0xb: {  	_ =	strace $0x80000047;
	s12 =	ssub.s32 s4, s6;
	s9 =	sor.u32 $0x400, s2  }
0xc: {  	s4 =	sadd.s32 s0, s2;
	s10 =	sor.u32 $0x800, s2;
	s7 =	sadd.s32 s1, s2  }
0xd: {  	s2 =	sor.u32 $0xC00, s2;
	s5 =	sadd.s32 s0, s9;
	s6 =	sadd.s32 s0, s10  }
0xe: {  	s8 =	sadd.s32 s0, s2;
	s9 =	sadd.s32 s1, s9;
	s10 =	sadd.s32 s1, s10  }
0xf: {  	s11 =	sadd.s32 s1, s2;
	s12 =	smax.u32 s12, $0x1;
	s0 =	simm.s32 $0x0  }
.LBB2_1:
0x10: {  	s1 =	rddreg [dreg:$0x0]  }
0x11: {  	[tilespmem:s3], [sflag:$0x1] =	stream.linear.gather [hbm4b:s1+s3], $0x80, $0x38;
	[tilespmem:$0x10100] =	vst v63  }
0x12: {  	s2 =	simm.s32 $0x100  }
0x13: {  	[tilespmem:s2], [sflag:$0x2] =	stream.linear.gather [hbm4b:s4+s3], $0x2000, $0x38;
	[tilespmem:$0x10100] =	vst v63  }
0x14: {  	s13 =	simm.s32 $0x2100  }
0x15: {  	[tilespmem:s13], [sflag:$0x3] =	stream.linear.gather [hbm4b:s5+s3], $0x2000, $0x38;
	[tilespmem:$0x10100] =	vst v63  }
0x16: {  	_ =	swait.ge [sflag:s15], $0x80  }
0x17: {  	[sflag:s15] =	ssyncset.done $0x0  }
0x18: {  	[sflag:s15] =	ssyncadd.s32 $0xFFFFFF80  }
0x19: {  	v0 =	vld [tilespmem:$0x0];
	_ =	sdelay $0x4  }
0x1a: {  	v1 =	vcvt.s32.f32 v0;
	_ =	sdelay $0x1  }
0x1b: {  	v1 =	vmul.f32 $8.262958320e-08, v1;
	_ =	sdelay $0x1  }
0x1c: {  	v1 =	vadd.f32 $-8.802969360e+01, v1;
	_ =	sdelay $0x1  }
0x1d: {  	v2 =	vsub.f32 $0.0e+00, v1;
	_ =	sdelay $0x1  }
0x1e: {  	v2 =	vmul.f32 $1.442695020e+00, v2;
	_ =	sdelay $0x1  }
0x1f: {  	(erf) = vpow2.f32 v2;
	_ =	sdelay $0x8  }
0x20: {  	v2 =	vpop (erf)  }
0x21: {  	v2 =	vmul.f32 v2, v0;
	_ =	sdelay $0x1  }
0x22: {  	v1 =	vadd.f32 v2, v1;
	_ =	sdelay $0x1  }
0x23: {  	v1 =	vadd.f32 $-1.000000000e+00, v1;
	_ =	sdelay $0x1  }
0x24: {  	v2 =	vsub.f32 $0.0e+00, v1;
	_ =	sdelay $0x1  }
0x25: {  	v2 =	vmul.f32 $1.442695020e+00, v2;
	_ =	sdelay $0x1  }
0x26: {  	(erf) = vpow2.f32 v2;
	_ =	sdelay $0x5  }
0x27: {  	v2 =	vld [tilespmem:$0x10];
	_ =	sdelay $0x2  }
0x28: {  	v3 =	vpop (erf)  }
0x29: {  	v3 =	vmul.f32 v3, v0  }
0x2a: {  	v4 =	vcvt.s32.f32 v2  }
0x2b: {  	v1 =	vadd.f32 v3, v1  }
0x2c: {  	v3 =	vmul.f32 $8.262958320e-08, v4  }
0x2d: {  	v1 =	vadd.f32 $-1.000000000e+00, v1  }
0x2e: {  	v3 =	vadd.f32 $-8.802969360e+01, v3  }
0x2f: {  	v4 =	vsub.f32 $0.0e+00, v1  }
0x30: {  	v5 =	vsub.f32 $0.0e+00, v3  }
0x31: {  	v4 =	vmul.f32 $1.442695020e+00, v4  }
0x32: {  	v5 =	vmul.f32 $1.442695020e+00, v5  }
0x33: {  	(erf) = vpow2.f32 v4  }
0x34: {  	(erf) = vpow2.f32 v5;
	_ =	sdelay $0x7  }
0x35: {  	v4 =	vpop (erf)  }
0x36: {  	v5 =	vpop (erf)  }
0x37: {  	v5 =	vmul.f32 v5, v2;
	_ =	sdelay $0x1  }
0x38: {  	v3 =	vadd.f32 v5, v3;
	_ =	sdelay $0x1  }
0x39: {  	v3 =	vadd.f32 $-1.000000000e+00, v3;
	_ =	sdelay $0x1  }
0x3a: {  	v5 =	vsub.f32 $0.0e+00, v3;
	_ =	sdelay $0x1  }
0x3b: {  	v5 =	vmul.f32 $1.442695020e+00, v5;
	_ =	sdelay $0x1  }
0x3c: {  	(erf) = vpow2.f32 v5;
	_ =	sdelay $0x5  }
0x3d: {  	v5 =	vld [tilespmem:$0x20];
	_ =	sdelay $0x2  }
0x3e: {  	v6 =	vpop (erf)  }
0x3f: {  	v6 =	vmul.f32 v6, v2  }
0x40: {  	v7 =	vcvt.s32.f32 v5  }
0x41: {  	v3 =	vadd.f32 v6, v3  }
0x42: {  	v6 =	vmul.f32 $8.262958320e-08, v7  }
0x43: {  	v3 =	vadd.f32 $-1.000000000e+00, v3  }
0x44: {  	v6 =	vadd.f32 $-8.802969360e+01, v6  }
0x45: {  	v7 =	vsub.f32 $0.0e+00, v3  }
0x46: {  	v8 =	vsub.f32 $0.0e+00, v6  }
0x47: {  	v7 =	vmul.f32 $1.442695020e+00, v7  }
0x48: {  	v8 =	vmul.f32 $1.442695020e+00, v8  }
0x49: {  	(erf) = vpow2.f32 v7  }
0x4a: {  	(erf) = vpow2.f32 v8;
	_ =	sdelay $0x7  }
0x4b: {  	v7 =	vpop (erf)  }
0x4c: {  	v8 =	vpop (erf)  }
0x4d: {  	v8 =	vmul.f32 v8, v5;
	_ =	sdelay $0x1  }
0x4e: {  	v6 =	vadd.f32 v8, v6;
	_ =	sdelay $0x1  }
0x4f: {  	v6 =	vadd.f32 $-1.000000000e+00, v6;
	_ =	sdelay $0x1  }
0x50: {  	v54 =	vsub.f32 $0.0e+00, v6;
	_ =	sdelay $0x1  }
0x51: {  	v8 =	vmul.f32 $1.442695020e+00, v54;
	_ =	sdelay $0x1  }
0x52: {  	(erf) = vpow2.f32 v8;
	_ =	sdelay $0x5  }
0x53: {  	v55 =	vld [tilespmem:$0x30];
	_ =	sdelay $0x2  }
0x54: {  	v9 =	vpop (erf)  }
0x55: {  	v9 =	vmul.f32 v9, v5  }
0x56: {  	v10 =	vcvt.s32.f32 v55  }
0x57: {  	v6 =	vadd.f32 v9, v6  }
0x58: {  	v56 =	vmul.f32 $8.262958320e-08, v10  }
0x59: {  	v6 =	vadd.f32 $-1.000000000e+00, v6  }
0x5a: {  	v9 =	vadd.f32 $-8.802969360e+01, v56  }
0x5b: {  	v57 =	vsub.f32 $0.0e+00, v6  }
0x5c: {  	v11 =	vsub.f32 $0.0e+00, v9  }
0x5d: {  	v10 =	vmul.f32 $1.442695020e+00, v57  }
0x5e: {  	v11 =	vmul.f32 $1.442695020e+00, v11  }
0x5f: {  	(erf) = vpow2.f32 v10  }
0x60: {  	(erf) = vpow2.f32 v11;
	_ =	sdelay $0x7  }
0x61: {  	v10 =	vpop (erf)  }
0x62: {  	v11 =	vpop (erf)  }
0x63: {  	v11 =	vmul.f32 v11, v55;
	_ =	sdelay $0x1  }
0x64: {  	v9 =	vadd.f32 v11, v9;
	_ =	sdelay $0x1  }
0x65: {  	v9 =	vadd.f32 $-1.000000000e+00, v9;
	_ =	sdelay $0x1  }
0x66: {  	v58 =	vsub.f32 $0.0e+00, v9;
	_ =	sdelay $0x1  }
0x67: {  	v11 =	vmul.f32 $1.442695020e+00, v58;
	_ =	sdelay $0x1  }
0x68: {  	(erf) = vpow2.f32 v11;
	_ =	sdelay $0x8  }
0x69: {  	v11 =	vpop (erf)  }
0x6a: {  	v11 =	vmul.f32 v11, v55;
	_ =	sdelay $0x1  }
0x6b: {  	v9 =	vadd.f32 v11, v9;
	_ =	sdelay $0x1  }
0x6c: {  	v9 =	vadd.f32 $-1.000000000e+00, v9;
	_ =	sdelay $0x1  }
0x6d: {  	v59 =	vsub.f32 $0.0e+00, v9;
	_ =	sdelay $0x1  }
0x6e: {  	v11 =	vmul.f32 $1.442695020e+00, v59;
	_ =	sdelay $0x1  }
0x6f: {  	(erf) = vpow2.f32 v11;
	_ =	sdelay $0x6  }
0x70: {  	v0 =	vmul.f32 v4, v0  }
0x71: {  	v2 =	vmul.f32 v7, v2  }
0x72: {  	v0 =	vadd.f32 v0, v1;
	v1 =	vmul.f32 v10, v5;
	v4 =	vpop (erf)  }
0x73: {  	v2 =	vadd.f32 v2, v3;
	v3 =	vmul.f32 v4, v55  }
0x74: {  	v0 =	vadd.f32 $-1.000000000e+00, v0;
	v1 =	vadd.f32 v1, v6  }
0x75: {  	v2 =	vadd.f32 $-1.000000000e+00, v2;
	v3 =	vadd.f32 v3, v9  }
0x76: {  	[tilespmem:$0x80] =	vst v0;
	v0 =	vadd.f32 $-1.000000000e+00, v1  }
0x77: {  	[tilespmem:$0x90] =	vst v2;
	v1 =	vadd.f32 $-1.000000000e+00, v3  }
0x78: {  	[tilespmem:$0xA0] =	vst v0  }
0x79: {  	[tilespmem:$0xB0] =	vst v1  }
0x7a: {  	[tilespmem:s16], [sflag:$0x4] =	stream.linear.gather [hbm4b:s6+s3], $0x2000, $0x38;
	[tilespmem:$0x10100] =	vst v63  }
0x7b: {  	_ =	swait.ge [sflag:s17], $0x2000  }
0x7c: {  	[sflag:s17] =	ssyncset.done $0x0  }
0x7d: {  	s14 =	simm.s32 $0x200;
	[sflag:s17] =	ssyncadd.s32 $0xFFFFE000  }
0x7e: {  	v0 =	vld [tilespmem:s14+$0xF0]  }
0x7f: {  	v1 =	vld [tilespmem:s14+$0xFFFFFF10]  }
0x80: {  	v2 =	vld [tilespmem:s14+$0xFFFFFF20]  }
0x81: {  	v3 =	vld [tilespmem:s14+$0xFFFFFF30]  }
0x82: {  	v4 =	vld [tilespmem:s14+$0xFFFFFF40]  }
0x83: {  	v5 =	vld [tilespmem:s14+$0xFFFFFF50]  }
0x84: {  	v6 =	vld [tilespmem:s14+$0xFFFFFF60]  }
0x85: {  	v7 =	vld [tilespmem:s14+$0xFFFFFF70]  }
0x86: {  	v60 =	vld [tilespmem:s14+$0xFFFFFF80]  }
0x87: {  	v61 =	vld [tilespmem:s14+$0xFFFFFF90]  }
0x88: {  	v62 =	vld [tilespmem:s14+$0xFFFFFFA0]  }
0x89: {  	v63 =	vld [tilespmem:s14+$0xFFFFFFB0]  }
0x8a: {  	v12 =	vld [tilespmem:s14+$0xFFFFFFC0]  }
0x8b: {  	v13 =	vld [tilespmem:s14+$0xFFFFFFD0]  }
0x8c: {  	v14 =	vld [tilespmem:s14+$0xFFFFFFE0]  }
0x8d: {  	v15 =	vld [tilespmem:s14+$0xFFFFFFF0]  }
0x8e: {  	v16 =	vld [tilespmem:s14+$0x0]  }
0x8f: {  	v17 =	vld [tilespmem:s14+$0x10]  }
0x90: {  	v18 =	vld [tilespmem:s14+$0x20]  }
0x91: {  	v19 =	vld [tilespmem:s14+$0x30]  }
0x92: {  	v20 =	vld [tilespmem:s14+$0x40]  }
0x93: {  	v21 =	vld [tilespmem:s14+$0x50]  }
0x94: {  	v22 =	vld [tilespmem:s14+$0x60]  }
0x95: {  	v23 =	vld [tilespmem:s14+$0x70]  }
0x96: {  	v24 =	vld [tilespmem:s14+$0x80]  }
0x97: {  	v25 =	vld [tilespmem:s14+$0x90]  }
0x98: {  	v26 =	vld [tilespmem:s14+$0xA0]  }
0x99: {  	v27 =	vld [tilespmem:s14+$0xB0]  }
0x9a: {  	v28 =	vld [tilespmem:s14+$0xC0]  }
0x9b: {  	v29 =	vld [tilespmem:s14+$0xD0]  }
0x9c: {  	v30 =	vld [tilespmem:s14+$0xE0]  }
0x9d: {  	v31 =	vld [tilespmem:s14+$0xFFFFFF00]  }
0x9e: {  	v0 =	vld.idx.msk [tilespmem:v0+s18+$0x0], $0xffff  }
0x9f: {  	v1 =	vld.idx.msk [tilespmem:v1+s18+$0x0], $0xffff  }
0xa0: {  	v2 =	vld.idx.msk [tilespmem:v2+s18+$0x0], $0xffff  }
0xa1: {  	v3 =	vld.idx.msk [tilespmem:v3+s18+$0x0], $0xffff  }
0xa2: {  	v4 =	vld.idx.msk [tilespmem:v4+s18+$0x0], $0xffff  }
0xa3: {  	s2 =	simm.s32 $0x8200;
	v5 =	vld.idx.msk [tilespmem:v5+s18+$0x0], $0xffff  }
0xa4: {  	[tilespmem:s2+$0xF0] =	vst v0;
	v0 =	vld.idx.msk [tilespmem:v6+s18+$0x0], $0xffff  }
0xa5: {  	[tilespmem:s2+$0xFFFFFF10] =	vst v1;
	v1 =	vld.idx.msk [tilespmem:v7+s18+$0x0], $0xffff  }
0xa6: {  	v6 =	vld.idx.msk [tilespmem:v31+s18+$0x0], $0xffff;
	[tilespmem:s2+$0xFFFFFF20] =	vst v2  }
0xa7: {  	[tilespmem:s2+$0xFFFFFF30] =	vst v3;
	v2 =	vld.idx.msk [tilespmem:v60+s18+$0x0], $0xffff  }
0xa8: {  	[tilespmem:s2+$0xFFFFFF40] =	vst v4;
	v3 =	vld.idx.msk [tilespmem:v61+s18+$0x0], $0xffff  }
0xa9: {  	[tilespmem:s2+$0xFFFFFF50] =	vst v5;
	v4 =	vld.idx.msk [tilespmem:v62+s18+$0x0], $0xffff  }
0xaa: {  	v5 =	vld.idx.msk [tilespmem:v13+s18+$0x0], $0xffff;
	[tilespmem:s2+$0xFFFFFF60] =	vst v0  }
0xab: {  	v7 =	vld.idx.msk [tilespmem:v24+s18+$0x0], $0xffff;
	[tilespmem:s2+$0xFFFFFF70] =	vst v1  }
0xac: {  	v0 =	vld.idx.msk [tilespmem:v63+s18+$0x0], $0xffff;
	[tilespmem:s2+$0xFFFFFF00] =	vst v6  }
0xad: {  	v1 =	vld.idx.msk [tilespmem:v12+s18+$0x0], $0xffff;
	[tilespmem:s2+$0xFFFFFF80] =	vst v2  }
0xae: {  	v2 =	vld.idx.msk [tilespmem:v14+s18+$0x0], $0xffff;
	[tilespmem:s2+$0xFFFFFF90] =	vst v3  }
0xaf: {  	v3 =	vld.idx.msk [tilespmem:v15+s18+$0x0], $0xffff;
	[tilespmem:s2+$0xFFFFFFA0] =	vst v4  }
0xb0: {  	v4 =	vld.idx.msk [tilespmem:v16+s18+$0x0], $0xffff;
	[tilespmem:s2+$0xFFFFFFD0] =	vst v5  }
0xb1: {  	v5 =	vld.idx.msk [tilespmem:v19+s18+$0x0], $0xffff;
	[tilespmem:s2+$0x80] =	vst v7  }
0xb2: {  	v6 =	vld.idx.msk [tilespmem:v23+s18+$0x0], $0xffff;
	[tilespmem:s2+$0xFFFFFFB0] =	vst v0  }
0xb3: {  	v0 =	vld.idx.msk [tilespmem:v17+s18+$0x0], $0xffff;
	[tilespmem:s2+$0xFFFFFFC0] =	vst v1  }
0xb4: {  	v1 =	vld.idx.msk [tilespmem:v18+s18+$0x0], $0xffff;
	[tilespmem:s2+$0xFFFFFFE0] =	vst v2  }
0xb5: {  	v2 =	vld.idx.msk [tilespmem:v20+s18+$0x0], $0xffff;
	[tilespmem:s2+$0xFFFFFFF0] =	vst v3  }
0xb6: {  	v3 =	vld.idx.msk [tilespmem:v21+s18+$0x0], $0xffff;
	[tilespmem:s2+$0x0] =	vst v4  }
0xb7: {  	v4 =	vld.idx.msk [tilespmem:v22+s18+$0x0], $0xffff;
	[tilespmem:s2+$0x30] =	vst v5  }
0xb8: {  	[tilespmem:s2+$0x70] =	vst v6;
	v5 =	vld.idx.msk [tilespmem:v30+s18+$0x0], $0xffff  }
0xb9: {  	[tilespmem:s2+$0x10] =	vst v0;
	v0 =	vld.idx.msk [tilespmem:v25+s18+$0x0], $0xffff  }
0xba: {  	[tilespmem:s2+$0x20] =	vst v1;
	v1 =	vld.idx.msk [tilespmem:v26+s18+$0x0], $0xffff  }
0xbb: {  	[tilespmem:s2+$0x40] =	vst v2;
	v2 =	vld.idx.msk [tilespmem:v27+s18+$0x0], $0xffff  }
0xbc: {  	[tilespmem:s2+$0x50] =	vst v3;
	v3 =	vld.idx.msk [tilespmem:v28+s18+$0x0], $0xffff  }
0xbd: {  	s1 =	simm.s32 $0x0;
	s13 =	simm.s32 $0x400;
	[tilespmem:s2+$0x60] =	vst v4;
	v4 =	vld.idx.msk [tilespmem:v29+s18+$0x0], $0xffff  }
.LBB2_2:
0xbe: {  	v6 =	vld [tilespmem:s13+$0xF0];
	s1 =	sadd.s32 $0x200, s1;
	[tilespmem:s2+$0x90] =	vst v0  }
0xbf: {  	v0 =	vld [tilespmem:s13+$0xFFFFFF10];
	p0 =	slt.u32 s1, $0x1E00;
	[tilespmem:s2+$0xA0] =	vst v1  }
0xc0: {  	v1 =	vld [tilespmem:s13+$0xFFFFFF20];
	[tilespmem:s2+$0xB0] =	vst v2  }
0xc1: {  	v2 =	vld [tilespmem:s13+$0xFFFFFF30];
	[tilespmem:s2+$0xC0] =	vst v3  }
0xc2: {  	v3 =	vld [tilespmem:s13+$0xFFFFFF40];
	[tilespmem:s2+$0xD0] =	vst v4  }
0xc3: {  	v4 =	vld [tilespmem:s13+$0xFFFFFF50];
	[tilespmem:s2+$0xE0] =	vst v5  }
0xc4: {  	v5 =	vld [tilespmem:s13+$0xFFFFFF60]  }
0xc5: {  	v7 =	vld [tilespmem:s13+$0xFFFFFF70]  }
0xc6: {  	v6 =	vld.idx.msk [tilespmem:v6+s18+$0x0], $0xffff  }
0xc7: {  	v8 =	vld [tilespmem:s13+$0xFFFFFF80]  }
0xc8: {  	v9 =	vld [tilespmem:s13+$0xFFFFFF90]  }
0xc9: {  	v10 =	vld [tilespmem:s13+$0xFFFFFFA0]  }
0xca: {  	v11 =	vld [tilespmem:s13+$0xFFFFFFB0]  }
0xcb: {  	s2 =	sadd.s32 $0x200, s2;
	v12 =	vld [tilespmem:s13+$0xFFFFFFC0]  }
0xcc: {  	v13 =	vld [tilespmem:s13+$0xFFFFFFD0];
	[tilespmem:s2+$0xF0] =	vst v6  }
0xcd: {  	v6 =	vld [tilespmem:s13+$0xFFFFFFE0]  }
0xce: {  	v14 =	vld [tilespmem:s13+$0xFFFFFFF0]  }
0xcf: {  	v15 =	vld [tilespmem:s13+$0x0]  }
0xd0: {  	v16 =	vld [tilespmem:s13+$0x10]  }
0xd1: {  	v17 =	vld [tilespmem:s13+$0x20]  }
0xd2: {  	v18 =	vld [tilespmem:s13+$0x30]  }
0xd3: {  	v19 =	vld [tilespmem:s13+$0x40]  }
0xd4: {  	v20 =	vld [tilespmem:s13+$0x50]  }
0xd5: {  	v21 =	vld [tilespmem:s13+$0x60]  }
0xd6: {  	v22 =	vld [tilespmem:s13+$0x70]  }
0xd7: {  	v23 =	vld [tilespmem:s13+$0x80]  }
0xd8: {  	v24 =	vld [tilespmem:s13+$0x90]  }
0xd9: {  	v25 =	vld [tilespmem:s13+$0xA0]  }
0xda: {  	v26 =	vld [tilespmem:s13+$0xB0]  }
0xdb: {  	v27 =	vld [tilespmem:s13+$0xC0]  }
0xdc: {  	v28 =	vld [tilespmem:s13+$0xD0]  }
0xdd: {  	v29 =	vld [tilespmem:s13+$0xE0]  }
0xde: {  	v30 =	vld [tilespmem:s13+$0xFFFFFF00]  }
0xdf: {  	v0 =	vld.idx.msk [tilespmem:v0+s18+$0x0], $0xffff  }
0xe0: {  	v1 =	vld.idx.msk [tilespmem:v1+s18+$0x0], $0xffff  }
0xe1: {  	v2 =	vld.idx.msk [tilespmem:v2+s18+$0x0], $0xffff  }
0xe2: {  	v3 =	vld.idx.msk [tilespmem:v3+s18+$0x0], $0xffff  }
0xe3: {  	v4 =	vld.idx.msk [tilespmem:v4+s18+$0x0], $0xffff  }
0xe4: {  	v5 =	vld.idx.msk [tilespmem:v5+s18+$0x0], $0xffff  }
0xe5: {  	[tilespmem:s2+$0xFFFFFF10] =	vst v0;
	v0 =	vld.idx.msk [tilespmem:v7+s18+$0x0], $0xffff  }
0xe6: {  	v7 =	vld.idx.msk [tilespmem:v30+s18+$0x0], $0xffff;
	[tilespmem:s2+$0xFFFFFF20] =	vst v1  }
0xe7: {  	[tilespmem:s2+$0xFFFFFF30] =	vst v2;
	v1 =	vld.idx.msk [tilespmem:v8+s18+$0x0], $0xffff  }
0xe8: {  	[tilespmem:s2+$0xFFFFFF40] =	vst v3;
	v2 =	vld.idx.msk [tilespmem:v9+s18+$0x0], $0xffff  }
0xe9: {  	[tilespmem:s2+$0xFFFFFF50] =	vst v4;
	v3 =	vld.idx.msk [tilespmem:v10+s18+$0x0], $0xffff  }
0xea: {  	[tilespmem:s2+$0xFFFFFF60] =	vst v5;
	v4 =	vld.idx.msk [tilespmem:v11+s18+$0x0], $0xffff  }
0xeb: {  	[tilespmem:s2+$0xFFFFFF70] =	vst v0;
	v0 =	vld.idx.msk [tilespmem:v12+s18+$0x0], $0xffff  }
0xec: {  	[tilespmem:s2+$0xFFFFFF00] =	vst v7;
	v5 =	vld.idx.msk [tilespmem:v13+s18+$0x0], $0xffff  }
0xed: {  	[tilespmem:s2+$0xFFFFFF80] =	vst v1;
	v1 =	vld.idx.msk [tilespmem:v6+s18+$0x0], $0xffff  }
0xee: {  	[tilespmem:s2+$0xFFFFFF90] =	vst v2;
	v2 =	vld.idx.msk [tilespmem:v14+s18+$0x0], $0xffff  }
0xef: {  	[tilespmem:s2+$0xFFFFFFA0] =	vst v3;
	v3 =	vld.idx.msk [tilespmem:v15+s18+$0x0], $0xffff  }
0xf0: {  	[tilespmem:s2+$0xFFFFFFB0] =	vst v4;
	v4 =	vld.idx.msk [tilespmem:v16+s18+$0x0], $0xffff  }
0xf1: {  	[tilespmem:s2+$0xFFFFFFC0] =	vst v0;
	v0 =	vld.idx.msk [tilespmem:v17+s18+$0x0], $0xffff  }
0xf2: {  	[tilespmem:s2+$0xFFFFFFD0] =	vst v5;
	v5 =	vld.idx.msk [tilespmem:v18+s18+$0x0], $0xffff  }
0xf3: {  	[tilespmem:s2+$0xFFFFFFE0] =	vst v1;
	v1 =	vld.idx.msk [tilespmem:v19+s18+$0x0], $0xffff  }
0xf4: {  	[tilespmem:s2+$0xFFFFFFF0] =	vst v2;
	v2 =	vld.idx.msk [tilespmem:v20+s18+$0x0], $0xffff  }
0xf5: {  	[tilespmem:s2+$0x0] =	vst v3;
	v3 =	vld.idx.msk [tilespmem:v21+s18+$0x0], $0xffff  }
0xf6: {  	[tilespmem:s2+$0x10] =	vst v4;
	v4 =	vld.idx.msk [tilespmem:v22+s18+$0x0], $0xffff  }
0xf7: {  	[tilespmem:s2+$0x20] =	vst v0;
	v6 =	vld.idx.msk [tilespmem:v23+s18+$0x0], $0xffff  }
0xf8: {  	[tilespmem:s2+$0x30] =	vst v5;
	v0 =	vld.idx.msk [tilespmem:v24+s18+$0x0], $0xffff  }
.Ltmp0:
0xf9: {  	[tilespmem:s2+$0x40] =	vst v1;
	v1 =	vld.idx.msk [tilespmem:v25+s18+$0x0], $0xffff;
	(pc) =	sbr.rel @p0 .LBB2_2-.Ltmp0, $4  }
0xfa: {  	[tilespmem:s2+$0x50] =	vst v2;
	v2 =	vld.idx.msk [tilespmem:v26+s18+$0x0], $0xffff  }
0xfb: {  	[tilespmem:s2+$0x60] =	vst v3;
	v3 =	vld.idx.msk [tilespmem:v27+s18+$0x0], $0xffff  }
0xfc: {  	[tilespmem:s2+$0x70] =	vst v4;
	v4 =	vld.idx.msk [tilespmem:v28+s18+$0x0], $0xffff  }
0xfd: {  	s13 =	sadd.s32 $0x200, s13;
	[tilespmem:s2+$0x80] =	vst v6;
	v5 =	vld.idx.msk [tilespmem:v29+s18+$0x0], $0xffff  }
0xfe: {  	[tilespmem:s2+$0x90] =	vst v0  }
0xff: {  	[tilespmem:s2+$0xA0] =	vst v1  }
0x100: {  	[tilespmem:s2+$0xB0] =	vst v2  }
0x101: {  	[tilespmem:s2+$0xC0] =	vst v3  }
0x102: {  	[tilespmem:s2+$0xD0] =	vst v4  }
0x103: {  	[tilespmem:s2+$0xE0] =	vst v5  }
0x104: {  	[hbm4b:s7+s3] =	stream.linear.scatter [tilespmem:s19], [sflag:$0x6], $0x2000, $0x38;
	[tilespmem:$0x10100] =	vst v63  }
0x105: {  	_ = 	snop  }
0x106: {  	[tilespmem:s20], [sflag:$0x5] =	stream.linear.gather [hbm4b:s8+s3], $0x2000, $0x38;
	[tilespmem:$0x10100] =	vst v63  }
0x107: {  	_ =	swait.ge [sflag:s21], $0x2000  }
0x108: {  	[sflag:s21] =	ssyncset.done $0x0  }
0x109: {  	s1 =	simm.s32 $0x22F0;
	[sflag:s21] =	ssyncadd.s32 $0xFFFFE000  }
0x10a: {  	v0 =	vld [tilespmem:s1+$0x0]  }
0x10b: {  	v1 =	vld [tilespmem:s1+$0xFFFFFE20]  }
0x10c: {  	v2 =	vld [tilespmem:s1+$0xFFFFFE30]  }
0x10d: {  	v3 =	vld [tilespmem:s1+$0xFFFFFE40]  }
0x10e: {  	v4 =	vld [tilespmem:s1+$0xFFFFFE50]  }
0x10f: {  	v5 =	vld [tilespmem:s1+$0xFFFFFE60]  }
0x110: {  	v6 =	vld [tilespmem:s1+$0xFFFFFE70]  }
0x111: {  	v7 =	vld [tilespmem:s1+$0xFFFFFE80]  }
0x112: {  	v8 =	vld [tilespmem:s1+$0xFFFFFE90]  }
0x113: {  	v9 =	vld [tilespmem:s1+$0xFFFFFEA0]  }
0x114: {  	v10 =	vld [tilespmem:s1+$0xFFFFFEB0]  }
0x115: {  	v11 =	vld [tilespmem:s1+$0xFFFFFEC0]  }
0x116: {  	v12 =	vld [tilespmem:s1+$0xFFFFFED0]  }
0x117: {  	v13 =	vld [tilespmem:s1+$0xFFFFFEE0]  }
0x118: {  	v14 =	vld [tilespmem:s1+$0xFFFFFEF0]  }
0x119: {  	v15 =	vld [tilespmem:s1+$0xFFFFFF00]  }
0x11a: {  	v16 =	vld [tilespmem:s1+$0xFFFFFF10]  }
0x11b: {  	v17 =	vld [tilespmem:s1+$0xFFFFFF20]  }
0x11c: {  	v18 =	vld [tilespmem:s1+$0xFFFFFF30]  }
0x11d: {  	v19 =	vld [tilespmem:s1+$0xFFFFFF40]  }
0x11e: {  	v20 =	vld [tilespmem:s1+$0xFFFFFF50]  }
0x11f: {  	v21 =	vld [tilespmem:s1+$0xFFFFFF60]  }
0x120: {  	v22 =	vld [tilespmem:s1+$0xFFFFFF70]  }
0x121: {  	v23 =	vld [tilespmem:s1+$0xFFFFFF80]  }
0x122: {  	v24 =	vld [tilespmem:s1+$0xFFFFFF90]  }
0x123: {  	v25 =	vld [tilespmem:s1+$0xFFFFFFA0]  }
0x124: {  	v26 =	vld [tilespmem:s1+$0xFFFFFFB0]  }
0x125: {  	v27 =	vld [tilespmem:s1+$0xFFFFFFC0]  }
0x126: {  	v28 =	vld [tilespmem:s1+$0xFFFFFFD0]  }
0x127: {  	v29 =	vld [tilespmem:s1+$0xFFFFFFE0]  }
0x128: {  	v30 =	vld [tilespmem:s1+$0xFFFFFFF0]  }
0x129: {  	v31 =	vld [tilespmem:s1+$0xFFFFFE10]  }
0x12a: {  	v0 =	vld.idx.msk [tilespmem:v0+s18+$0x0], $0xffff  }
0x12b: {  	v1 =	vld.idx.msk [tilespmem:v1+s18+$0x0], $0xffff  }
0x12c: {  	v2 =	vld.idx.msk [tilespmem:v2+s18+$0x0], $0xffff  }
0x12d: {  	v3 =	vld.idx.msk [tilespmem:v3+s18+$0x0], $0xffff  }
0x12e: {  	v4 =	vld.idx.msk [tilespmem:v4+s18+$0x0], $0xffff  }
0x12f: {  	s2 =	simm.s32 $0xA2F0;
	v5 =	vld.idx.msk [tilespmem:v5+s18+$0x0], $0xffff  }
0x130: {  	[tilespmem:s2+$0x0] =	vst v0;
	v0 =	vld.idx.msk [tilespmem:v6+s18+$0x0], $0xffff  }
0x131: {  	[tilespmem:s2+$0xFFFFFE20] =	vst v1;
	v1 =	vld.idx.msk [tilespmem:v7+s18+$0x0], $0xffff  }
0x132: {  	v6 =	vld.idx.msk [tilespmem:v31+s18+$0x0], $0xffff;
	[tilespmem:s2+$0xFFFFFE30] =	vst v2  }
0x133: {  	[tilespmem:s2+$0xFFFFFE40] =	vst v3;
	v2 =	vld.idx.msk [tilespmem:v8+s18+$0x0], $0xffff  }
0x134: {  	[tilespmem:s2+$0xFFFFFE50] =	vst v4;
	v3 =	vld.idx.msk [tilespmem:v9+s18+$0x0], $0xffff  }
0x135: {  	[tilespmem:s2+$0xFFFFFE60] =	vst v5;
	v4 =	vld.idx.msk [tilespmem:v10+s18+$0x0], $0xffff  }
0x136: {  	v5 =	vld.idx.msk [tilespmem:v13+s18+$0x0], $0xffff;
	[tilespmem:s2+$0xFFFFFE70] =	vst v0  }
0x137: {  	v7 =	vld.idx.msk [tilespmem:v24+s18+$0x0], $0xffff;
	[tilespmem:s2+$0xFFFFFE80] =	vst v1  }
0x138: {  	v0 =	vld.idx.msk [tilespmem:v11+s18+$0x0], $0xffff;
	[tilespmem:s2+$0xFFFFFE10] =	vst v6  }
0x139: {  	v1 =	vld.idx.msk [tilespmem:v12+s18+$0x0], $0xffff;
	[tilespmem:s2+$0xFFFFFE90] =	vst v2  }
0x13a: {  	v2 =	vld.idx.msk [tilespmem:v14+s18+$0x0], $0xffff;
	[tilespmem:s2+$0xFFFFFEA0] =	vst v3  }
0x13b: {  	v3 =	vld.idx.msk [tilespmem:v15+s18+$0x0], $0xffff;
	[tilespmem:s2+$0xFFFFFEB0] =	vst v4  }
0x13c: {  	v4 =	vld.idx.msk [tilespmem:v16+s18+$0x0], $0xffff;
	[tilespmem:s2+$0xFFFFFEE0] =	vst v5  }
0x13d: {  	v5 =	vld.idx.msk [tilespmem:v19+s18+$0x0], $0xffff;
	[tilespmem:s2+$0xFFFFFF90] =	vst v7  }
0x13e: {  	v6 =	vld.idx.msk [tilespmem:v23+s18+$0x0], $0xffff;
	[tilespmem:s2+$0xFFFFFEC0] =	vst v0  }
0x13f: {  	v0 =	vld.idx.msk [tilespmem:v17+s18+$0x0], $0xffff;
	[tilespmem:s2+$0xFFFFFED0] =	vst v1  }
0x140: {  	v1 =	vld.idx.msk [tilespmem:v18+s18+$0x0], $0xffff;
	[tilespmem:s2+$0xFFFFFEF0] =	vst v2  }
0x141: {  	v2 =	vld.idx.msk [tilespmem:v20+s18+$0x0], $0xffff;
	[tilespmem:s2+$0xFFFFFF00] =	vst v3  }
0x142: {  	v3 =	vld.idx.msk [tilespmem:v21+s18+$0x0], $0xffff;
	[tilespmem:s2+$0xFFFFFF10] =	vst v4  }
0x143: {  	v4 =	vld.idx.msk [tilespmem:v22+s18+$0x0], $0xffff;
	[tilespmem:s2+$0xFFFFFF40] =	vst v5  }
0x144: {  	[tilespmem:s2+$0xFFFFFF80] =	vst v6;
	v5 =	vld.idx.msk [tilespmem:v30+s18+$0x0], $0xffff  }
0x145: {  	[tilespmem:s2+$0xFFFFFF20] =	vst v0;
	v0 =	vld.idx.msk [tilespmem:v25+s18+$0x0], $0xffff  }
0x146: {  	[tilespmem:s2+$0xFFFFFF30] =	vst v1;
	v1 =	vld.idx.msk [tilespmem:v26+s18+$0x0], $0xffff  }
0x147: {  	[tilespmem:s2+$0xFFFFFF50] =	vst v2;
	v2 =	vld.idx.msk [tilespmem:v27+s18+$0x0], $0xffff  }
0x148: {  	[tilespmem:s2+$0xFFFFFF60] =	vst v3;
	v3 =	vld.idx.msk [tilespmem:v28+s18+$0x0], $0xffff  }
0x149: {  	s13 =	simm.s32 $0x24F0;
	s1 =	simm.s32 $0x2000;
	[tilespmem:s2+$0xFFFFFF70] =	vst v4;
	v4 =	vld.idx.msk [tilespmem:v29+s18+$0x0], $0xffff  }
.LBB2_4:
0x14a: {  	v6 =	vld [tilespmem:s13+$0x0];
	s1 =	sadd.s32 $0x200, s1;
	[tilespmem:s2+$0xFFFFFFA0] =	vst v0  }
0x14b: {  	v0 =	vld [tilespmem:s13+$0xFFFFFE20];
	p0 =	slt.u32 s1, $0x3E00;
	[tilespmem:s2+$0xFFFFFFB0] =	vst v1  }
0x14c: {  	v1 =	vld [tilespmem:s13+$0xFFFFFE30];
	[tilespmem:s2+$0xFFFFFFC0] =	vst v2  }
0x14d: {  	v2 =	vld [tilespmem:s13+$0xFFFFFE40];
	[tilespmem:s2+$0xFFFFFFD0] =	vst v3  }
0x14e: {  	v3 =	vld [tilespmem:s13+$0xFFFFFE50];
	[tilespmem:s2+$0xFFFFFFE0] =	vst v4  }
0x14f: {  	v4 =	vld [tilespmem:s13+$0xFFFFFE60];
	[tilespmem:s2+$0xFFFFFFF0] =	vst v5  }
0x150: {  	v5 =	vld [tilespmem:s13+$0xFFFFFE70]  }
0x151: {  	v7 =	vld [tilespmem:s13+$0xFFFFFE80]  }
0x152: {  	v6 =	vld.idx.msk [tilespmem:v6+s18+$0x0], $0xffff  }
0x153: {  	v8 =	vld [tilespmem:s13+$0xFFFFFE90]  }
0x154: {  	v9 =	vld [tilespmem:s13+$0xFFFFFEA0]  }
0x155: {  	v10 =	vld [tilespmem:s13+$0xFFFFFEB0]  }
0x156: {  	v11 =	vld [tilespmem:s13+$0xFFFFFEC0]  }
0x157: {  	s2 =	sadd.s32 $0x200, s2;
	v12 =	vld [tilespmem:s13+$0xFFFFFED0]  }
0x158: {  	v13 =	vld [tilespmem:s13+$0xFFFFFEE0];
	[tilespmem:s2+$0x0] =	vst v6  }
0x159: {  	v6 =	vld [tilespmem:s13+$0xFFFFFEF0]  }
0x15a: {  	v14 =	vld [tilespmem:s13+$0xFFFFFF00]  }
0x15b: {  	v15 =	vld [tilespmem:s13+$0xFFFFFF10]  }
0x15c: {  	v16 =	vld [tilespmem:s13+$0xFFFFFF20]  }
0x15d: {  	v17 =	vld [tilespmem:s13+$0xFFFFFF30]  }
0x15e: {  	v18 =	vld [tilespmem:s13+$0xFFFFFF40]  }
0x15f: {  	v19 =	vld [tilespmem:s13+$0xFFFFFF50]  }
0x160: {  	v20 =	vld [tilespmem:s13+$0xFFFFFF60]  }
0x161: {  	v21 =	vld [tilespmem:s13+$0xFFFFFF70]  }
0x162: {  	v22 =	vld [tilespmem:s13+$0xFFFFFF80]  }
0x163: {  	v23 =	vld [tilespmem:s13+$0xFFFFFF90]  }
0x164: {  	v24 =	vld [tilespmem:s13+$0xFFFFFFA0]  }
0x165: {  	v25 =	vld [tilespmem:s13+$0xFFFFFFB0]  }
0x166: {  	v26 =	vld [tilespmem:s13+$0xFFFFFFC0]  }
0x167: {  	v27 =	vld [tilespmem:s13+$0xFFFFFFD0]  }
0x168: {  	v28 =	vld [tilespmem:s13+$0xFFFFFFE0]  }
0x169: {  	v29 =	vld [tilespmem:s13+$0xFFFFFFF0]  }
0x16a: {  	v30 =	vld [tilespmem:s13+$0xFFFFFE10]  }
0x16b: {  	v0 =	vld.idx.msk [tilespmem:v0+s18+$0x0], $0xffff  }
0x16c: {  	v1 =	vld.idx.msk [tilespmem:v1+s18+$0x0], $0xffff  }
0x16d: {  	v2 =	vld.idx.msk [tilespmem:v2+s18+$0x0], $0xffff  }
0x16e: {  	v3 =	vld.idx.msk [tilespmem:v3+s18+$0x0], $0xffff  }
0x16f: {  	v4 =	vld.idx.msk [tilespmem:v4+s18+$0x0], $0xffff  }
0x170: {  	v5 =	vld.idx.msk [tilespmem:v5+s18+$0x0], $0xffff  }
0x171: {  	[tilespmem:s2+$0xFFFFFE20] =	vst v0;
	v0 =	vld.idx.msk [tilespmem:v7+s18+$0x0], $0xffff  }
0x172: {  	v7 =	vld.idx.msk [tilespmem:v30+s18+$0x0], $0xffff;
	[tilespmem:s2+$0xFFFFFE30] =	vst v1  }
0x173: {  	[tilespmem:s2+$0xFFFFFE40] =	vst v2;
	v1 =	vld.idx.msk [tilespmem:v8+s18+$0x0], $0xffff  }
0x174: {  	[tilespmem:s2+$0xFFFFFE50] =	vst v3;
	v2 =	vld.idx.msk [tilespmem:v9+s18+$0x0], $0xffff  }
0x175: {  	[tilespmem:s2+$0xFFFFFE60] =	vst v4;
	v3 =	vld.idx.msk [tilespmem:v10+s18+$0x0], $0xffff  }
0x176: {  	[tilespmem:s2+$0xFFFFFE70] =	vst v5;
	v4 =	vld.idx.msk [tilespmem:v11+s18+$0x0], $0xffff  }
0x177: {  	[tilespmem:s2+$0xFFFFFE80] =	vst v0;
	v0 =	vld.idx.msk [tilespmem:v12+s18+$0x0], $0xffff  }
0x178: {  	[tilespmem:s2+$0xFFFFFE10] =	vst v7;
	v5 =	vld.idx.msk [tilespmem:v13+s18+$0x0], $0xffff  }
0x179: {  	[tilespmem:s2+$0xFFFFFE90] =	vst v1;
	v1 =	vld.idx.msk [tilespmem:v6+s18+$0x0], $0xffff  }
0x17a: {  	[tilespmem:s2+$0xFFFFFEA0] =	vst v2;
	v2 =	vld.idx.msk [tilespmem:v14+s18+$0x0], $0xffff  }
0x17b: {  	[tilespmem:s2+$0xFFFFFEB0] =	vst v3;
	v3 =	vld.idx.msk [tilespmem:v15+s18+$0x0], $0xffff  }
0x17c: {  	[tilespmem:s2+$0xFFFFFEC0] =	vst v4;
	v4 =	vld.idx.msk [tilespmem:v16+s18+$0x0], $0xffff  }
0x17d: {  	[tilespmem:s2+$0xFFFFFED0] =	vst v0;
	v0 =	vld.idx.msk [tilespmem:v17+s18+$0x0], $0xffff  }
0x17e: {  	[tilespmem:s2+$0xFFFFFEE0] =	vst v5;
	v5 =	vld.idx.msk [tilespmem:v18+s18+$0x0], $0xffff  }
0x17f: {  	[tilespmem:s2+$0xFFFFFEF0] =	vst v1;
	v1 =	vld.idx.msk [tilespmem:v19+s18+$0x0], $0xffff  }
0x180: {  	[tilespmem:s2+$0xFFFFFF00] =	vst v2;
	v2 =	vld.idx.msk [tilespmem:v20+s18+$0x0], $0xffff  }
0x181: {  	[tilespmem:s2+$0xFFFFFF10] =	vst v3;
	v3 =	vld.idx.msk [tilespmem:v21+s18+$0x0], $0xffff  }
0x182: {  	[tilespmem:s2+$0xFFFFFF20] =	vst v4;
	v4 =	vld.idx.msk [tilespmem:v22+s18+$0x0], $0xffff  }
0x183: {  	[tilespmem:s2+$0xFFFFFF30] =	vst v0;
	v6 =	vld.idx.msk [tilespmem:v23+s18+$0x0], $0xffff  }
0x184: {  	[tilespmem:s2+$0xFFFFFF40] =	vst v5;
	v0 =	vld.idx.msk [tilespmem:v24+s18+$0x0], $0xffff  }
.Ltmp1:
0x185: {  	[tilespmem:s2+$0xFFFFFF50] =	vst v1;
	v1 =	vld.idx.msk [tilespmem:v25+s18+$0x0], $0xffff;
	(pc) =	sbr.rel @p0 .LBB2_4-.Ltmp1, $4  }
0x186: {  	[tilespmem:s2+$0xFFFFFF60] =	vst v2;
	v2 =	vld.idx.msk [tilespmem:v26+s18+$0x0], $0xffff  }
0x187: {  	[tilespmem:s2+$0xFFFFFF70] =	vst v3;
	v3 =	vld.idx.msk [tilespmem:v27+s18+$0x0], $0xffff  }
0x188: {  	[tilespmem:s2+$0xFFFFFF80] =	vst v4;
	v4 =	vld.idx.msk [tilespmem:v28+s18+$0x0], $0xffff  }
0x189: {  	s13 =	sadd.s32 $0x200, s13;
	[tilespmem:s2+$0xFFFFFF90] =	vst v6;
	v5 =	vld.idx.msk [tilespmem:v29+s18+$0x0], $0xffff  }
0x18a: {  	[tilespmem:s2+$0xFFFFFFA0] =	vst v0  }
0x18b: {  	[tilespmem:s2+$0xFFFFFFB0] =	vst v1  }
0x18c: {  	[tilespmem:s2+$0xFFFFFFC0] =	vst v2  }
0x18d: {  	[tilespmem:s2+$0xFFFFFFD0] =	vst v3  }
0x18e: {  	[tilespmem:s2+$0xFFFFFFE0] =	vst v4  }
0x18f: {  	s1 =	simm.s32 $0x0;
	[tilespmem:s2+$0xFFFFFFF0] =	vst v5  }
0x190: {  	[hbm4b:s9+s1] =	stream.linear.scatter [tilespmem:s22], [sflag:$0x7], $0x2000, $0x38;
	[tilespmem:$0x10100] =	vst v63  }
0x191: {  	_ =	swait.ge [sflag:s23], $0x2000  }
0x192: {  	[sflag:s23] =	ssyncset.done $0x0  }
0x193: {  	s2 =	simm.s32 $0x0;
	[sflag:s23] =	ssyncadd.s32 $0xFFFFE000  }
0x194: {  	v0 =	vld [tilespmem:s2+$0x42F0]  }
0x195: {  	v1 =	vld [tilespmem:s2+$0x4100]  }
0x196: {  	v2 =	vld [tilespmem:s2+$0x4110]  }
0x197: {  	v3 =	vld [tilespmem:s2+$0x4120]  }
0x198: {  	v4 =	vld [tilespmem:s2+$0x4130]  }
0x199: {  	v5 =	vld [tilespmem:s2+$0x4140]  }
0x19a: {  	v6 =	vld [tilespmem:s2+$0x4150]  }
0x19b: {  	v7 =	vld [tilespmem:s2+$0x4160]  }
0x19c: {  	v9 =	vld [tilespmem:s2+$0x4170]  }
0x19d: {  	v10 =	vld [tilespmem:s2+$0x4180]  }
0x19e: {  	v11 =	vld [tilespmem:s2+$0x4190]  }
0x19f: {  	v12 =	vld [tilespmem:s2+$0x41A0]  }
0x1a0: {  	v13 =	vld [tilespmem:s2+$0x41B0]  }
0x1a1: {  	v14 =	vld [tilespmem:s2+$0x41C0]  }
0x1a2: {  	v15 =	vld [tilespmem:s2+$0x41D0]  }
0x1a3: {  	v16 =	vld [tilespmem:s2+$0x41E0]  }
0x1a4: {  	v17 =	vld [tilespmem:s2+$0x41F0]  }
0x1a5: {  	v18 =	vld [tilespmem:s2+$0x4200]  }
0x1a6: {  	v19 =	vld [tilespmem:s2+$0x4210]  }
0x1a7: {  	v20 =	vld [tilespmem:s2+$0x4220]  }
0x1a8: {  	v21 =	vld [tilespmem:s2+$0x4230]  }
0x1a9: {  	v22 =	vld [tilespmem:s2+$0x4240]  }
0x1aa: {  	v23 =	vld [tilespmem:s2+$0x4250]  }
0x1ab: {  	v24 =	vld [tilespmem:s2+$0x4260]  }
0x1ac: {  	v25 =	vld [tilespmem:s2+$0x4270]  }
0x1ad: {  	v26 =	vld [tilespmem:s2+$0x4280]  }
0x1ae: {  	v27 =	vld [tilespmem:s2+$0x4290]  }
0x1af: {  	v28 =	vld [tilespmem:s2+$0x42A0]  }
0x1b0: {  	v29 =	vld [tilespmem:s2+$0x42B0]  }
0x1b1: {  	v30 =	vld [tilespmem:s2+$0x42C0]  }
0x1b2: {  	v31 =	vld [tilespmem:s2+$0x42D0]  }
0x1b3: {  	v8 =	vld.idx.msk [tilespmem:v0+s18+$0x0], $0xffff  }
0x1b4: {  	v0 =	vld [tilespmem:s2+$0x42E0]  }
0x1b5: {  	v1 =	vld.idx.msk [tilespmem:v1+s18+$0x0], $0xffff  }
0x1b6: {  	v2 =	vld.idx.msk [tilespmem:v2+s18+$0x0], $0xffff  }
0x1b7: {  	v3 =	vld.idx.msk [tilespmem:v3+s18+$0x0], $0xffff  }
0x1b8: {  	v4 =	vld.idx.msk [tilespmem:v4+s18+$0x0], $0xffff  }
0x1b9: {  	v5 =	vld.idx.msk [tilespmem:v5+s18+$0x0], $0xffff  }
0x1ba: {  	v6 =	vld.idx.msk [tilespmem:v6+s18+$0x0], $0xffff;
	[tilespmem:s2+$0xC2F0] =	vst v8  }
0x1bb: {  	[tilespmem:s2+$0xC100] =	vst v1;
	v1 =	vld.idx.msk [tilespmem:v7+s18+$0x0], $0xffff  }
0x1bc: {  	[tilespmem:s2+$0xC110] =	vst v2;
	v2 =	vld.idx.msk [tilespmem:v9+s18+$0x0], $0xffff  }
0x1bd: {  	[tilespmem:s2+$0xC120] =	vst v3;
	v3 =	vld.idx.msk [tilespmem:v10+s18+$0x0], $0xffff  }
0x1be: {  	[tilespmem:s2+$0xC130] =	vst v4;
	v4 =	vld.idx.msk [tilespmem:v11+s18+$0x0], $0xffff  }
0x1bf: {  	[tilespmem:s2+$0xC140] =	vst v5;
	v5 =	vld.idx.msk [tilespmem:v12+s18+$0x0], $0xffff  }
0x1c0: {  	[tilespmem:s2+$0xC150] =	vst v6;
	v6 =	vld.idx.msk [tilespmem:v13+s18+$0x0], $0xffff  }
0x1c1: {  	v7 =	vld.idx.msk [tilespmem:v22+s18+$0x0], $0xffff;
	[tilespmem:s2+$0xC160] =	vst v1  }
0x1c2: {  	v1 =	vld.idx.msk [tilespmem:v14+s18+$0x0], $0xffff;
	[tilespmem:s2+$0xC170] =	vst v2  }
0x1c3: {  	v2 =	vld.idx.msk [tilespmem:v15+s18+$0x0], $0xffff;
	[tilespmem:s2+$0xC180] =	vst v3  }
0x1c4: {  	v3 =	vld.idx.msk [tilespmem:v16+s18+$0x0], $0xffff;
	[tilespmem:s2+$0xC190] =	vst v4  }
0x1c5: {  	v4 =	vld.idx.msk [tilespmem:v17+s18+$0x0], $0xffff;
	[tilespmem:s2+$0xC1A0] =	vst v5  }
0x1c6: {  	v5 =	vld.idx.msk [tilespmem:v18+s18+$0x0], $0xffff;
	[tilespmem:s2+$0xC1B0] =	vst v6  }
0x1c7: {  	v6 =	vld.idx.msk [tilespmem:v19+s18+$0x0], $0xffff;
	[tilespmem:s2+$0xC240] =	vst v7  }
0x1c8: {  	[tilespmem:s2+$0xC1C0] =	vst v1;
	v1 =	vld.idx.msk [tilespmem:v20+s18+$0x0], $0xffff  }
0x1c9: {  	[tilespmem:s2+$0xC1D0] =	vst v2;
	v2 =	vld.idx.msk [tilespmem:v21+s18+$0x0], $0xffff  }
0x1ca: {  	[tilespmem:s2+$0xC1F0] =	vst v4;
	v4 =	vld.idx.msk [tilespmem:v23+s18+$0x0], $0xffff  }
0x1cb: {  	[tilespmem:s2+$0xC200] =	vst v5;
	v5 =	vld.idx.msk [tilespmem:v24+s18+$0x0], $0xffff  }
0x1cc: {  	[tilespmem:s2+$0xC210] =	vst v6;
	v6 =	vld.idx.msk [tilespmem:v25+s18+$0x0], $0xffff  }
0x1cd: {  	[tilespmem:s2+$0xC1E0] =	vst v3;
	v3 =	vld.idx.msk [tilespmem:v26+s18+$0x0], $0xffff  }
0x1ce: {  	[tilespmem:s2+$0xC220] =	vst v1;
	v1 =	vld.idx.msk [tilespmem:v27+s18+$0x0], $0xffff  }
0x1cf: {  	[tilespmem:s2+$0xC230] =	vst v2;
	v2 =	vld.idx.msk [tilespmem:v28+s18+$0x0], $0xffff  }
0x1d0: {  	[tilespmem:s2+$0xC250] =	vst v4;
	v4 =	vld.idx.msk [tilespmem:v29+s18+$0x0], $0xffff  }
0x1d1: {  	[tilespmem:s2+$0xC260] =	vst v5;
	v5 =	vld.idx.msk [tilespmem:v30+s18+$0x0], $0xffff  }
0x1d2: {  	s13 =	simm.s32 $0x800;
	s1 =	simm.s32 $0x4000;
	[tilespmem:s2+$0xC270] =	vst v6;
	v6 =	vld.idx.msk [tilespmem:v31+s18+$0x0], $0xffff  }
.LBB2_6:
0x1d3: {  	s14 =	sshra.s32 s13, $0x2;
	s1 =	sadd.s32 $0x200, s1;
	[tilespmem:s2+$0xC280] =	vst v3;
	v0 =	vld.idx.msk [tilespmem:v0+s18+$0x0], $0xffff  }
0x1d4: {  	v3 =	vld [tilespmem:s14+$0x42F0];
	p0 =	slt.u32 s1, $0x5E00;
	[tilespmem:s2+$0xC290] =	vst v1  }
0x1d5: {  	v1 =	vld [tilespmem:s14+$0x4100];
	[tilespmem:s2+$0xC2A0] =	vst v2  }
0x1d6: {  	v2 =	vld [tilespmem:s14+$0x4110];
	[tilespmem:s2+$0xC2B0] =	vst v4  }
0x1d7: {  	v4 =	vld [tilespmem:s14+$0x4120];
	[tilespmem:s2+$0xC2C0] =	vst v5  }
0x1d8: {  	v5 =	vld [tilespmem:s14+$0x4130];
	[tilespmem:s2+$0xC2D0] =	vst v6  }
0x1d9: {  	v6 =	vld [tilespmem:s14+$0x4140];
	[tilespmem:s2+$0xC2E0] =	vst v0;
	s2 =	smov.u32 s14  }
0x1da: {  	v7 =	vld [tilespmem:s2+$0x4150]  }
0x1db: {  	v8 =	vld [tilespmem:s2+$0x4160]  }
0x1dc: {  	v0 =	vld.idx.msk [tilespmem:v3+s18+$0x0], $0xffff  }
0x1dd: {  	v3 =	vld [tilespmem:s2+$0x4170]  }
0x1de: {  	v9 =	vld [tilespmem:s2+$0x4180]  }
0x1df: {  	v10 =	vld [tilespmem:s2+$0x4190]  }
0x1e0: {  	v11 =	vld [tilespmem:s2+$0x41A0]  }
0x1e1: {  	v12 =	vld [tilespmem:s2+$0x41B0]  }
0x1e2: {  	v13 =	vld [tilespmem:s2+$0x41C0];
	[tilespmem:s2+$0xC2F0] =	vst v0  }
0x1e3: {  	v14 =	vld [tilespmem:s2+$0x41D0]  }
0x1e4: {  	v15 =	vld [tilespmem:s2+$0x41E0]  }
0x1e5: {  	v16 =	vld [tilespmem:s2+$0x41F0]  }
0x1e6: {  	v17 =	vld [tilespmem:s2+$0x4200]  }
0x1e7: {  	v18 =	vld [tilespmem:s2+$0x4210]  }
0x1e8: {  	v19 =	vld [tilespmem:s2+$0x4220]  }
0x1e9: {  	v20 =	vld [tilespmem:s2+$0x4230]  }
0x1ea: {  	v21 =	vld [tilespmem:s2+$0x4240]  }
0x1eb: {  	v22 =	vld [tilespmem:s2+$0x4250]  }
0x1ec: {  	v23 =	vld [tilespmem:s2+$0x4260]  }
0x1ed: {  	v24 =	vld [tilespmem:s2+$0x4270]  }
0x1ee: {  	v25 =	vld [tilespmem:s2+$0x4280]  }
0x1ef: {  	v26 =	vld [tilespmem:s2+$0x4290]  }
0x1f0: {  	v27 =	vld [tilespmem:s2+$0x42A0]  }
0x1f1: {  	v28 =	vld [tilespmem:s2+$0x42B0]  }
0x1f2: {  	v29 =	vld [tilespmem:s2+$0x42C0]  }
0x1f3: {  	v30 =	vld [tilespmem:s2+$0x42D0]  }
0x1f4: {  	v0 =	vld [tilespmem:s2+$0x42E0]  }
0x1f5: {  	v1 =	vld.idx.msk [tilespmem:v1+s18+$0x0], $0xffff  }
0x1f6: {  	v2 =	vld.idx.msk [tilespmem:v2+s18+$0x0], $0xffff  }
0x1f7: {  	v4 =	vld.idx.msk [tilespmem:v4+s18+$0x0], $0xffff  }
0x1f8: {  	v5 =	vld.idx.msk [tilespmem:v5+s18+$0x0], $0xffff  }
0x1f9: {  	v6 =	vld.idx.msk [tilespmem:v6+s18+$0x0], $0xffff  }
0x1fa: {  	v7 =	vld.idx.msk [tilespmem:v7+s18+$0x0], $0xffff  }
0x1fb: {  	[tilespmem:s2+$0xC100] =	vst v1;
	v1 =	vld.idx.msk [tilespmem:v8+s18+$0x0], $0xffff  }
0x1fc: {  	[tilespmem:s2+$0xC110] =	vst v2;
	v2 =	vld.idx.msk [tilespmem:v3+s18+$0x0], $0xffff  }
0x1fd: {  	[tilespmem:s2+$0xC120] =	vst v4;
	v3 =	vld.idx.msk [tilespmem:v9+s18+$0x0], $0xffff  }
0x1fe: {  	[tilespmem:s2+$0xC130] =	vst v5;
	v4 =	vld.idx.msk [tilespmem:v10+s18+$0x0], $0xffff  }
0x1ff: {  	[tilespmem:s2+$0xC140] =	vst v6;
	v5 =	vld.idx.msk [tilespmem:v11+s18+$0x0], $0xffff  }
0x200: {  	[tilespmem:s2+$0xC150] =	vst v7;
	v6 =	vld.idx.msk [tilespmem:v12+s18+$0x0], $0xffff  }
0x201: {  	[tilespmem:s2+$0xC160] =	vst v1;
	v1 =	vld.idx.msk [tilespmem:v13+s18+$0x0], $0xffff  }
0x202: {  	[tilespmem:s2+$0xC170] =	vst v2;
	v2 =	vld.idx.msk [tilespmem:v14+s18+$0x0], $0xffff  }
0x203: {  	[tilespmem:s2+$0xC180] =	vst v3;
	v3 =	vld.idx.msk [tilespmem:v15+s18+$0x0], $0xffff  }
0x204: {  	[tilespmem:s2+$0xC190] =	vst v4;
	v4 =	vld.idx.msk [tilespmem:v16+s18+$0x0], $0xffff  }
0x205: {  	[tilespmem:s2+$0xC1A0] =	vst v5;
	v5 =	vld.idx.msk [tilespmem:v17+s18+$0x0], $0xffff  }
0x206: {  	[tilespmem:s2+$0xC1B0] =	vst v6;
	v6 =	vld.idx.msk [tilespmem:v18+s18+$0x0], $0xffff  }
0x207: {  	[tilespmem:s2+$0xC1C0] =	vst v1;
	v1 =	vld.idx.msk [tilespmem:v19+s18+$0x0], $0xffff  }
0x208: {  	[tilespmem:s2+$0xC1D0] =	vst v2;
	v2 =	vld.idx.msk [tilespmem:v20+s18+$0x0], $0xffff  }
0x209: {  	[tilespmem:s2+$0xC1E0] =	vst v3;
	v7 =	vld.idx.msk [tilespmem:v21+s18+$0x0], $0xffff  }
0x20a: {  	[tilespmem:s2+$0xC1F0] =	vst v4;
	v4 =	vld.idx.msk [tilespmem:v22+s18+$0x0], $0xffff  }
0x20b: {  	[tilespmem:s2+$0xC200] =	vst v5;
	v5 =	vld.idx.msk [tilespmem:v23+s18+$0x0], $0xffff  }
0x20c: {  	[tilespmem:s2+$0xC210] =	vst v6;
	v6 =	vld.idx.msk [tilespmem:v24+s18+$0x0], $0xffff  }
0x20d: {  	[tilespmem:s2+$0xC220] =	vst v1;
	v3 =	vld.idx.msk [tilespmem:v25+s18+$0x0], $0xffff  }
.Ltmp2:
0x20e: {  	[tilespmem:s2+$0xC230] =	vst v2;
	v1 =	vld.idx.msk [tilespmem:v26+s18+$0x0], $0xffff;
	(pc) =	sbr.rel @p0 .LBB2_6-.Ltmp2, $4  }
0x20f: {  	[tilespmem:s2+$0xC240] =	vst v7;
	v2 =	vld.idx.msk [tilespmem:v27+s18+$0x0], $0xffff  }
0x210: {  	[tilespmem:s2+$0xC250] =	vst v4;
	v4 =	vld.idx.msk [tilespmem:v28+s18+$0x0], $0xffff  }
0x211: {  	[tilespmem:s2+$0xC260] =	vst v5;
	v5 =	vld.idx.msk [tilespmem:v29+s18+$0x0], $0xffff  }
0x212: {  	s13 =	sadd.s32 $0x800, s13;
	[tilespmem:s2+$0xC270] =	vst v6;
	v6 =	vld.idx.msk [tilespmem:v30+s18+$0x0], $0xffff  }
0x213: {  	_ =	sdelay $0x2  }
0x214: {  	[tilespmem:s2+$0xC280] =	vst v3  }
0x215: {  	v0 =	vld.idx.msk [tilespmem:v0+s18+$0x0], $0xffff;
	[tilespmem:s2+$0xC290] =	vst v1  }
0x216: {  	[tilespmem:s2+$0xC2A0] =	vst v2  }
0x217: {  	[tilespmem:s2+$0xC2B0] =	vst v4  }
0x218: {  	[tilespmem:s2+$0xC2C0] =	vst v5  }
0x219: {  	[tilespmem:s2+$0xC2D0] =	vst v6  }
0x21a: {  	s1 =	simm.s32 $0x0;
	[tilespmem:s2+$0xC2E0] =	vst v0  }
0x21b: {  	[hbm4b:s10+s1] =	stream.linear.scatter [tilespmem:s24], [sflag:$0x8], $0x2000, $0x38;
	[tilespmem:$0x10100] =	vst v63  }
0x21c: {  	_ =	swait.ge [sflag:s25], $0x2000  }
0x21d: {  	[sflag:s25] =	ssyncset.done $0x0  }
0x21e: {  	s2 =	simm.s32 $0x0;
	[sflag:s25] =	ssyncadd.s32 $0xFFFFE000  }
0x21f: {  	v0 =	vld [tilespmem:s2+$0x62F0]  }
0x220: {  	v1 =	vld [tilespmem:s2+$0x6100]  }
0x221: {  	v2 =	vld [tilespmem:s2+$0x6110]  }
0x222: {  	v3 =	vld [tilespmem:s2+$0x6120]  }
0x223: {  	v4 =	vld [tilespmem:s2+$0x6130]  }
0x224: {  	v5 =	vld [tilespmem:s2+$0x6140]  }
0x225: {  	v6 =	vld [tilespmem:s2+$0x6150]  }
0x226: {  	v7 =	vld [tilespmem:s2+$0x6160]  }
0x227: {  	v9 =	vld [tilespmem:s2+$0x6170]  }
0x228: {  	v10 =	vld [tilespmem:s2+$0x6180]  }
0x229: {  	v11 =	vld [tilespmem:s2+$0x6190]  }
0x22a: {  	v12 =	vld [tilespmem:s2+$0x61A0]  }
0x22b: {  	v13 =	vld [tilespmem:s2+$0x61B0]  }
0x22c: {  	v14 =	vld [tilespmem:s2+$0x61C0]  }
0x22d: {  	v15 =	vld [tilespmem:s2+$0x61D0]  }
0x22e: {  	v16 =	vld [tilespmem:s2+$0x61E0]  }
0x22f: {  	v17 =	vld [tilespmem:s2+$0x61F0]  }
0x230: {  	v18 =	vld [tilespmem:s2+$0x6200]  }
0x231: {  	v19 =	vld [tilespmem:s2+$0x6210]  }
0x232: {  	v20 =	vld [tilespmem:s2+$0x6220]  }
0x233: {  	v21 =	vld [tilespmem:s2+$0x6230]  }
0x234: {  	v22 =	vld [tilespmem:s2+$0x6240]  }
0x235: {  	v23 =	vld [tilespmem:s2+$0x6250]  }
0x236: {  	v24 =	vld [tilespmem:s2+$0x6260]  }
0x237: {  	v25 =	vld [tilespmem:s2+$0x6270]  }
0x238: {  	v26 =	vld [tilespmem:s2+$0x6280]  }
0x239: {  	v27 =	vld [tilespmem:s2+$0x6290]  }
0x23a: {  	v28 =	vld [tilespmem:s2+$0x62A0]  }
0x23b: {  	v29 =	vld [tilespmem:s2+$0x62B0]  }
0x23c: {  	v30 =	vld [tilespmem:s2+$0x62C0]  }
0x23d: {  	v31 =	vld [tilespmem:s2+$0x62D0]  }
0x23e: {  	v8 =	vld.idx.msk [tilespmem:v0+s18+$0x0], $0xffff  }
0x23f: {  	v0 =	vld [tilespmem:s2+$0x62E0]  }
0x240: {  	v1 =	vld.idx.msk [tilespmem:v1+s18+$0x0], $0xffff  }
0x241: {  	v2 =	vld.idx.msk [tilespmem:v2+s18+$0x0], $0xffff  }
0x242: {  	v3 =	vld.idx.msk [tilespmem:v3+s18+$0x0], $0xffff  }
0x243: {  	v4 =	vld.idx.msk [tilespmem:v4+s18+$0x0], $0xffff  }
0x244: {  	v5 =	vld.idx.msk [tilespmem:v5+s18+$0x0], $0xffff  }
0x245: {  	v6 =	vld.idx.msk [tilespmem:v6+s18+$0x0], $0xffff;
	[tilespmem:s2+$0xE2F0] =	vst v8  }
0x246: {  	[tilespmem:s2+$0xE100] =	vst v1;
	v1 =	vld.idx.msk [tilespmem:v7+s18+$0x0], $0xffff  }
0x247: {  	[tilespmem:s2+$0xE110] =	vst v2;
	v2 =	vld.idx.msk [tilespmem:v9+s18+$0x0], $0xffff  }
0x248: {  	[tilespmem:s2+$0xE120] =	vst v3;
	v3 =	vld.idx.msk [tilespmem:v10+s18+$0x0], $0xffff  }
0x249: {  	[tilespmem:s2+$0xE130] =	vst v4;
	v4 =	vld.idx.msk [tilespmem:v11+s18+$0x0], $0xffff  }
0x24a: {  	[tilespmem:s2+$0xE140] =	vst v5;
	v5 =	vld.idx.msk [tilespmem:v12+s18+$0x0], $0xffff  }
0x24b: {  	[tilespmem:s2+$0xE150] =	vst v6;
	v6 =	vld.idx.msk [tilespmem:v13+s18+$0x0], $0xffff  }
0x24c: {  	v7 =	vld.idx.msk [tilespmem:v22+s18+$0x0], $0xffff;
	[tilespmem:s2+$0xE160] =	vst v1  }
0x24d: {  	v1 =	vld.idx.msk [tilespmem:v14+s18+$0x0], $0xffff;
	[tilespmem:s2+$0xE170] =	vst v2  }
0x24e: {  	v2 =	vld.idx.msk [tilespmem:v15+s18+$0x0], $0xffff;
	[tilespmem:s2+$0xE180] =	vst v3  }
0x24f: {  	v3 =	vld.idx.msk [tilespmem:v16+s18+$0x0], $0xffff;
	[tilespmem:s2+$0xE190] =	vst v4  }
0x250: {  	v4 =	vld.idx.msk [tilespmem:v17+s18+$0x0], $0xffff;
	[tilespmem:s2+$0xE1A0] =	vst v5  }
0x251: {  	v5 =	vld.idx.msk [tilespmem:v18+s18+$0x0], $0xffff;
	[tilespmem:s2+$0xE1B0] =	vst v6  }
0x252: {  	v6 =	vld.idx.msk [tilespmem:v19+s18+$0x0], $0xffff;
	[tilespmem:s2+$0xE240] =	vst v7  }
0x253: {  	[tilespmem:s2+$0xE1C0] =	vst v1;
	v1 =	vld.idx.msk [tilespmem:v20+s18+$0x0], $0xffff  }
0x254: {  	[tilespmem:s2+$0xE1D0] =	vst v2;
	v2 =	vld.idx.msk [tilespmem:v21+s18+$0x0], $0xffff  }
0x255: {  	[tilespmem:s2+$0xE1F0] =	vst v4;
	v4 =	vld.idx.msk [tilespmem:v23+s18+$0x0], $0xffff  }
0x256: {  	[tilespmem:s2+$0xE200] =	vst v5;
	v5 =	vld.idx.msk [tilespmem:v24+s18+$0x0], $0xffff  }
0x257: {  	[tilespmem:s2+$0xE210] =	vst v6;
	v6 =	vld.idx.msk [tilespmem:v25+s18+$0x0], $0xffff  }
0x258: {  	[tilespmem:s2+$0xE1E0] =	vst v3;
	v3 =	vld.idx.msk [tilespmem:v26+s18+$0x0], $0xffff  }
0x259: {  	[tilespmem:s2+$0xE220] =	vst v1;
	v1 =	vld.idx.msk [tilespmem:v27+s18+$0x0], $0xffff  }
0x25a: {  	[tilespmem:s2+$0xE230] =	vst v2;
	v2 =	vld.idx.msk [tilespmem:v28+s18+$0x0], $0xffff  }
0x25b: {  	[tilespmem:s2+$0xE250] =	vst v4;
	v4 =	vld.idx.msk [tilespmem:v29+s18+$0x0], $0xffff  }
0x25c: {  	[tilespmem:s2+$0xE260] =	vst v5;
	v5 =	vld.idx.msk [tilespmem:v30+s18+$0x0], $0xffff  }
0x25d: {  	s13 =	simm.s32 $0x800;
	s1 =	simm.s32 $0x6000;
	[tilespmem:s2+$0xE270] =	vst v6;
	v6 =	vld.idx.msk [tilespmem:v31+s18+$0x0], $0xffff  }
.LBB2_8:
0x25e: {  	s14 =	sshra.s32 s13, $0x2;
	s1 =	sadd.s32 $0x200, s1;
	[tilespmem:s2+$0xE280] =	vst v3;
	v0 =	vld.idx.msk [tilespmem:v0+s18+$0x0], $0xffff  }
0x25f: {  	v3 =	vld [tilespmem:s14+$0x62F0];
	p0 =	slt.u32 s1, $0x7E00;
	[tilespmem:s2+$0xE290] =	vst v1  }
0x260: {  	v1 =	vld [tilespmem:s14+$0x6100];
	[tilespmem:s2+$0xE2A0] =	vst v2  }
0x261: {  	v2 =	vld [tilespmem:s14+$0x6110];
	[tilespmem:s2+$0xE2B0] =	vst v4  }
0x262: {  	v4 =	vld [tilespmem:s14+$0x6120];
	[tilespmem:s2+$0xE2C0] =	vst v5  }
0x263: {  	v5 =	vld [tilespmem:s14+$0x6130];
	[tilespmem:s2+$0xE2D0] =	vst v6  }
0x264: {  	v6 =	vld [tilespmem:s14+$0x6140];
	[tilespmem:s2+$0xE2E0] =	vst v0;
	s2 =	smov.u32 s14  }
0x265: {  	v7 =	vld [tilespmem:s2+$0x6150]  }
0x266: {  	v8 =	vld [tilespmem:s2+$0x6160]  }
0x267: {  	v0 =	vld.idx.msk [tilespmem:v3+s18+$0x0], $0xffff  }
0x268: {  	v3 =	vld [tilespmem:s2+$0x6170]  }
0x269: {  	v9 =	vld [tilespmem:s2+$0x6180]  }
0x26a: {  	v10 =	vld [tilespmem:s2+$0x6190]  }
0x26b: {  	v11 =	vld [tilespmem:s2+$0x61A0]  }
0x26c: {  	v12 =	vld [tilespmem:s2+$0x61B0]  }
0x26d: {  	v13 =	vld [tilespmem:s2+$0x61C0];
	[tilespmem:s2+$0xE2F0] =	vst v0  }
0x26e: {  	v14 =	vld [tilespmem:s2+$0x61D0]  }
0x26f: {  	v15 =	vld [tilespmem:s2+$0x61E0]  }
0x270: {  	v16 =	vld [tilespmem:s2+$0x61F0]  }
0x271: {  	v17 =	vld [tilespmem:s2+$0x6200]  }
0x272: {  	v18 =	vld [tilespmem:s2+$0x6210]  }
0x273: {  	v19 =	vld [tilespmem:s2+$0x6220]  }
0x274: {  	v20 =	vld [tilespmem:s2+$0x6230]  }
0x275: {  	v21 =	vld [tilespmem:s2+$0x6240]  }
0x276: {  	v22 =	vld [tilespmem:s2+$0x6250]  }
0x277: {  	v23 =	vld [tilespmem:s2+$0x6260]  }
0x278: {  	v24 =	vld [tilespmem:s2+$0x6270]  }
0x279: {  	v25 =	vld [tilespmem:s2+$0x6280]  }
0x27a: {  	v26 =	vld [tilespmem:s2+$0x6290]  }
0x27b: {  	v27 =	vld [tilespmem:s2+$0x62A0]  }
0x27c: {  	v28 =	vld [tilespmem:s2+$0x62B0]  }
0x27d: {  	v29 =	vld [tilespmem:s2+$0x62C0]  }
0x27e: {  	v30 =	vld [tilespmem:s2+$0x62D0]  }
0x27f: {  	v0 =	vld [tilespmem:s2+$0x62E0]  }
0x280: {  	v1 =	vld.idx.msk [tilespmem:v1+s18+$0x0], $0xffff  }
0x281: {  	v2 =	vld.idx.msk [tilespmem:v2+s18+$0x0], $0xffff  }
0x282: {  	v4 =	vld.idx.msk [tilespmem:v4+s18+$0x0], $0xffff  }
0x283: {  	v5 =	vld.idx.msk [tilespmem:v5+s18+$0x0], $0xffff  }
0x284: {  	v6 =	vld.idx.msk [tilespmem:v6+s18+$0x0], $0xffff  }
0x285: {  	v7 =	vld.idx.msk [tilespmem:v7+s18+$0x0], $0xffff  }
0x286: {  	[tilespmem:s2+$0xE100] =	vst v1;
	v1 =	vld.idx.msk [tilespmem:v8+s18+$0x0], $0xffff  }
0x287: {  	[tilespmem:s2+$0xE110] =	vst v2;
	v2 =	vld.idx.msk [tilespmem:v3+s18+$0x0], $0xffff  }
0x288: {  	[tilespmem:s2+$0xE120] =	vst v4;
	v3 =	vld.idx.msk [tilespmem:v9+s18+$0x0], $0xffff  }
0x289: {  	[tilespmem:s2+$0xE130] =	vst v5;
	v4 =	vld.idx.msk [tilespmem:v10+s18+$0x0], $0xffff  }
0x28a: {  	[tilespmem:s2+$0xE140] =	vst v6;
	v5 =	vld.idx.msk [tilespmem:v11+s18+$0x0], $0xffff  }
0x28b: {  	[tilespmem:s2+$0xE150] =	vst v7;
	v6 =	vld.idx.msk [tilespmem:v12+s18+$0x0], $0xffff  }
0x28c: {  	[tilespmem:s2+$0xE160] =	vst v1;
	v1 =	vld.idx.msk [tilespmem:v13+s18+$0x0], $0xffff  }
0x28d: {  	[tilespmem:s2+$0xE170] =	vst v2;
	v2 =	vld.idx.msk [tilespmem:v14+s18+$0x0], $0xffff  }
0x28e: {  	[tilespmem:s2+$0xE180] =	vst v3;
	v3 =	vld.idx.msk [tilespmem:v15+s18+$0x0], $0xffff  }
0x28f: {  	[tilespmem:s2+$0xE190] =	vst v4;
	v4 =	vld.idx.msk [tilespmem:v16+s18+$0x0], $0xffff  }
0x290: {  	[tilespmem:s2+$0xE1A0] =	vst v5;
	v5 =	vld.idx.msk [tilespmem:v17+s18+$0x0], $0xffff  }
0x291: {  	[tilespmem:s2+$0xE1B0] =	vst v6;
	v6 =	vld.idx.msk [tilespmem:v18+s18+$0x0], $0xffff  }
0x292: {  	[tilespmem:s2+$0xE1C0] =	vst v1;
	v1 =	vld.idx.msk [tilespmem:v19+s18+$0x0], $0xffff  }
0x293: {  	[tilespmem:s2+$0xE1D0] =	vst v2;
	v2 =	vld.idx.msk [tilespmem:v20+s18+$0x0], $0xffff  }
0x294: {  	[tilespmem:s2+$0xE1E0] =	vst v3;
	v7 =	vld.idx.msk [tilespmem:v21+s18+$0x0], $0xffff  }
0x295: {  	[tilespmem:s2+$0xE1F0] =	vst v4;
	v4 =	vld.idx.msk [tilespmem:v22+s18+$0x0], $0xffff  }
0x296: {  	[tilespmem:s2+$0xE200] =	vst v5;
	v5 =	vld.idx.msk [tilespmem:v23+s18+$0x0], $0xffff  }
0x297: {  	[tilespmem:s2+$0xE210] =	vst v6;
	v6 =	vld.idx.msk [tilespmem:v24+s18+$0x0], $0xffff  }
0x298: {  	[tilespmem:s2+$0xE220] =	vst v1;
	v3 =	vld.idx.msk [tilespmem:v25+s18+$0x0], $0xffff  }
.Ltmp3:
0x299: {  	[tilespmem:s2+$0xE230] =	vst v2;
	v1 =	vld.idx.msk [tilespmem:v26+s18+$0x0], $0xffff;
	(pc) =	sbr.rel @p0 .LBB2_8-.Ltmp3, $4  }
0x29a: {  	[tilespmem:s2+$0xE240] =	vst v7;
	v2 =	vld.idx.msk [tilespmem:v27+s18+$0x0], $0xffff  }
0x29b: {  	[tilespmem:s2+$0xE250] =	vst v4;
	v4 =	vld.idx.msk [tilespmem:v28+s18+$0x0], $0xffff  }
0x29c: {  	[tilespmem:s2+$0xE260] =	vst v5;
	v5 =	vld.idx.msk [tilespmem:v29+s18+$0x0], $0xffff  }
0x29d: {  	s13 =	sadd.s32 $0x800, s13;
	[tilespmem:s2+$0xE270] =	vst v6;
	v6 =	vld.idx.msk [tilespmem:v30+s18+$0x0], $0xffff  }
0x29e: {  	_ =	sdelay $0x2  }
0x29f: {  	[tilespmem:s2+$0xE280] =	vst v3  }
0x2a0: {  	v0 =	vld.idx.msk [tilespmem:v0+s18+$0x0], $0xffff;
	[tilespmem:s2+$0xE290] =	vst v1  }
0x2a1: {  	[tilespmem:s2+$0xE2A0] =	vst v2  }
0x2a2: {  	[tilespmem:s2+$0xE2B0] =	vst v4  }
0x2a3: {  	[tilespmem:s2+$0xE2C0] =	vst v5  }
0x2a4: {  	[tilespmem:s2+$0xE2D0] =	vst v6  }
0x2a5: {  	[tilespmem:s2+$0xE2E0] =	vst v0  }
0x2a6: {  	[hbm4b:s11+s3] =	stream.linear.scatter [tilespmem:s26], [sflag:$0x9], $0x2000, $0x38;
	[tilespmem:$0x10100] =	vst v63  }
0x2a7: {  	_ =	swait.ge [sflag:s28], $0x2000  }
0x2a8: {  	[sflag:s28] =	ssyncset.done $0x0  }
0x2a9: {  	[sflag:s28] =	ssyncadd.s32 $0xFFFFE000  }
0x2aa: {  	_ =	swait.ge [sflag:s29], $0x2000  }
0x2ab: {  	[sflag:s29] =	ssyncset.done $0x0  }
0x2ac: {  	s0 =	sadd.s32 $0x1, s0;
	[sflag:s29] =	ssyncadd.s32 $0xFFFFE000  }
0x2ad: {  	p0 =	sne.s32 s0, s12;
	_ =	swait.ge [sflag:s30], $0x2000  }
.Ltmp4:
0x2ae: {  	[sflag:s30] =	ssyncset.done $0x0;
	(pc) =	sbr.rel @p0 .LBB2_1-.Ltmp4, $4  }
0x2af: {  	[sflag:s30] =	ssyncadd.s32 $0xFFFFE000  }
0x2b0: {  	_ =	swait.ge [sflag:s31], $0x2000  }
0x2b1: {  	[sflag:s31] =	ssyncset.done $0x0  }
0x2b2: {  	[sflag:s31] =	ssyncadd.s32 $0xFFFFE000  }
0x2b3: {  	_ =	sfence.sel $0x180000  }
0x2b4: {  	[bflag:$0x0] =	sbarrier.arrive $0xFFFF  }
0x2b5: {  	_ =	strace $0x90000047  }
0x2b6: {  	s0 =	stileid.u32;
	[bflag:$0x2] =	sbarrier.arrive $0xFFFF  }
0x2b7: {  	p0 =	sne.s32 s0, $0x0;
	s0 =	rddreg [dreg:$0x3]  }
0x2b8: {  	s0 =	sadd.s32 @!p0 $0x100000, s0  }
0x2b9: {  	[sflag:s0] =	ssyncadd.tile.s32 @!p0 $0x1;
	_ =	shalt  }
.Lfunc_end2:
_tile_overlayer_lowered:
.L_overlay_start_2:
0x2ba: {  	(tag) =	ssettag $0x2  }
0x2bb: {  	s0 =	rddreg [dreg:$0x0];
	s2 =	stileid.u32  }
0x2bc: {  	s1 =	rddreg [dreg:$0x1];
	p0 =	sne.s32 s2, $0x0  }
0x2bd: {  	s3 =	rddreg [dreg:$0x2];
	[bflag:$0x3] =	sbarrier.arrive $0xFFFF;
	s2 =	simm.s32 @!p0 $0x1C0A  }
0x2be: {  	[timem:s3], [sflag:s2] =	dma.local @!p0 [hbm:s0], s1  }
0x2bf: {  	s0 =	simm.s32 @!p0 $0xA  }
0x2c0: {  	_ =	swait.ge @!p0 [sflag:s0], s1  }
0x2c1: {  	s1 =	ssub.s32 @!p0 $0x0, s1;
	[sflag:s0] =	ssyncset.done @!p0 $0x0  }
0x2c2: {  	[sflag:s0] =	ssyncadd.s32 @!p0 s1  }
0x2c3: {  	[bflag:$0x3] =	sbarrier.arrive $0xFFFF  }
0x2c4: {  	_ =	shalt  }

</sc_bundles>
